<compile_context>
chip_gen: v7x
topology: tpu7x:2x2x1
jax: 0.10.2.dev20260603
libtpu: 0.0.44.dev20260713+nightly
codegen_flags: <defaults>
</compile_context>

<pallas_src>
import functools

import numpy as np
import jax
import jax.numpy as jnp
from jax import lax
from jax.experimental import pallas as pl
from jax.experimental.pallas import tpu as pltpu
from jax.experimental.pallas import tpu_sc as plsc

L = 16
B_DIM, Q_DIM, N_DIM = 2, 4096, 4096
R_TOTAL = B_DIM * Q_DIM
K_TOP = 2048
NUM_WORKERS = 32
HALF = R_TOTAL // (2 * NUM_WORKERS)
INT_MIN = np.int32(-2147483648)
ALL_ONES = np.int32(-1)


def _splat(x):
    return jnp.full((L,), x, jnp.int32)


def _sc_sort_kernel(x_hbm, idx_hbm, kthr_hbm, jthr_hbm,
                    xb0, xb1, ka, ia, kb, ib, k0, h0, h1, thrk, thrj,
                    sem0, sem1, semo):
    wid = lax.axis_index("s") * 2 + lax.axis_index("c")
    lanes = lax.iota(jnp.int32, L)
    ones = _splat(1)

    def scan_hist(h):
        def chunk(t, carry):
            hv = h[pl.ds(t * L, L)]
            incl = plsc.cumsum(hv)
            h[pl.ds(t * L, L)] = incl - hv + carry
            return carry + incl[L - 1]
        lax.fori_loop(0, 256 // L, chunk, jnp.int32(-1))

    def zero_hist(h):
        def chunk(t, c):
            h[pl.ds(t * L, L)] = jnp.zeros((L,), jnp.int32)
            return c
        lax.fori_loop(0, 256 // L, chunk, jnp.int32(0))

    def radix_pass(v, shift, ksrc, isrc, kdst, idst, run, hnext, next_shift):
        def body(t, c):
            kv = ksrc[pl.ds(t * L, L)]
            if shift == 0:
                d = lax.bitwise_and(kv, _splat(255))
            elif shift == 24:
                d = lax.shift_right_logical(kv, _splat(24))
            else:
                d = lax.bitwise_and(
                    lax.shift_right_logical(kv, _splat(shift)), _splat(255))
            occ, _ = plsc.scan_count(d)
            base = plsc.load_gather(run, [d])
            pos = base + occ
            if isrc is None:
                iv = lanes + t * L
            else:
                iv = isrc[pl.ds(t * L, L)]
            if kdst is not None:
                plsc.store_scatter(kdst, [pos], kv)
            plsc.store_scatter(idst, [pos], iv)
            plsc.store_scatter(run, [d], pos)
            if hnext is not None:
                if next_shift == 24:
                    d2 = lax.shift_right_logical(kv, _splat(24))
                else:
                    d2 = lax.bitwise_and(
                        lax.shift_right_logical(kv, _splat(next_shift)),
                        _splat(255))
                plsc.addupdate_scatter(hnext, [d2], ones)
            return c
        lax.fori_loop(0, v, body, jnp.int32(0))

    def row_of(g):
        row_a = wid * HALF + g
        row_b = R_TOTAL - 1 - wid * HALF - (g - HALF)
        return jnp.where(g < HALF, row_a, row_b)

    def row_body(i, xb, sem_self, xb_other, sem_other):
        row = row_of(i)
        q = lax.rem(row, jnp.int32(Q_DIM))
        v = (q + L) // L

        nxt = row_of(lax.min(i + 1, jnp.int32(2 * HALF - 1)))
        pltpu.async_copy(x_hbm.at[nxt], xb_other, sem_other)
        pltpu.make_async_copy(x_hbm.at[row], xb, sem_self).wait()

        zero_hist(h0)

        def keys_of(t):
            xv = xb[pl.ds(t * L, L)]
            bv = plsc.bitcast(xv, jnp.int32)
            key = jnp.where(bv >= 0, bv, INT_MIN - bv)
            return lax.bitwise_xor(key, _splat(0x7FFFFFFF))

        def emit(t, inv):
            k0[pl.ds(t * L, L)] = inv
            d0 = lax.bitwise_and(inv, _splat(255))
            plsc.addupdate_scatter(h0, [d0], ones)

        def build(t, c2):
            emit(t, keys_of(t))
            return c2
        lax.fori_loop(0, v - 1, build, jnp.int32(0))
        tl = v - 1
        inv_l = jnp.where(lanes + tl * L <= q, keys_of(tl), _splat(ALL_ONES))
        emit(tl, inv_l)

        scan_hist(h0)
        zero_hist(h1)
        radix_pass(v, 0, k0, None, kb, ib, h0, h1, 8)
        pltpu.make_async_copy(ia.at[pl.ds(0, K_TOP)], idx_hbm.at[row],
                              semo).wait()
        scan_hist(h1)
        zero_hist(h0)
        radix_pass(v, 8, kb, ib, ka, ia, h1, h0, 16)
        scan_hist(h0)
        zero_hist(h1)
        radix_pass(v, 16, ka, ia, kb, ib, h0, h1, 24)
        scan_hist(h1)
        radix_pass(v, 24, kb, ib, None, ia, h1, None, 0)

        def fill(t, c2):
            ia[pl.ds(t * L, L)] = lanes + t * L
            return c2
        lax.fori_loop(lax.min(v, jnp.int32(K_TOP // L)),
                      jnp.int32(K_TOP // L), fill, jnp.int32(0))

        has = (v * L) >= K_TOP
        tvj = ia[pl.ds(K_TOP - L, L)]
        jthr = jnp.where(has, tvj[L - 1], jnp.int32(K_TOP - 1))
        tvk = plsc.load_gather(k0, [_splat(jthr)])
        ithr = jnp.where(has, tvk[L - 1], ALL_ONES)
        kthr = lax.bitwise_xor(ithr, jnp.int32(0x7FFFFFFF))
        pos = _splat(jnp.where(i < HALF, i, 3 * HALF - 1 - i))
        plsc.store_scatter(thrk, [pos], _splat(kthr))
        plsc.store_scatter(thrj, [pos], _splat(jthr))

        pltpu.async_copy(ia.at[pl.ds(0, K_TOP)], idx_hbm.at[row], semo)

    r0 = row_of(jnp.int32(0))
    pltpu.async_copy(x_hbm.at[r0], xb0, sem0)
    pltpu.async_copy(ia.at[pl.ds(0, K_TOP)], idx_hbm.at[r0], semo)

    def pair_body(p, c):
        row_body(2 * p, xb0, sem0, xb1, sem1)
        row_body(2 * p + 1, xb1, sem1, xb0, sem0)
        return c

    lax.fori_loop(0, HALF, pair_body, jnp.int32(0))

    pltpu.make_async_copy(ia.at[pl.ds(0, K_TOP)], idx_hbm.at[r0], semo).wait()
    pltpu.make_async_copy(x_hbm.at[r0], xb0, sem0).wait()

    a0 = wid * HALF
    b0 = R_TOTAL - (wid + 1) * HALF
    pltpu.sync_copy(thrk.at[pl.ds(0, HALF)], kthr_hbm.at[pl.ds(a0, HALF)])
    pltpu.sync_copy(thrj.at[pl.ds(0, HALF)], jthr_hbm.at[pl.ds(a0, HALF)])
    pltpu.sync_copy(thrk.at[pl.ds(HALF, HALF)], kthr_hbm.at[pl.ds(b0, HALF)])
    pltpu.sync_copy(thrj.at[pl.ds(HALF, HALF)], jthr_hbm.at[pl.ds(b0, HALF)])


def _sc_topk(x):
    mesh = plsc.VectorSubcoreMesh(core_axis_name="c", subcore_axis_name="s")
    kern = functools.partial(
        pl.kernel,
        out_type=(
            jax.ShapeDtypeStruct((R_TOTAL, K_TOP), jnp.int32),
            jax.ShapeDtypeStruct((R_TOTAL,), jnp.int32),
            jax.ShapeDtypeStruct((R_TOTAL,), jnp.int32),
        ),
        mesh=mesh,
        compiler_params=pltpu.CompilerParams(needs_layout_passes=False),
        scratch_types=[
            pltpu.VMEM((N_DIM,), jnp.float32),
            pltpu.VMEM((N_DIM,), jnp.float32),
            pltpu.VMEM((N_DIM,), jnp.int32),
            pltpu.VMEM((N_DIM,), jnp.int32),
            pltpu.VMEM((N_DIM,), jnp.int32),
            pltpu.VMEM((N_DIM,), jnp.int32),
            pltpu.VMEM((N_DIM,), jnp.int32),
            pltpu.VMEM((256,), jnp.int32),
            pltpu.VMEM((256,), jnp.int32),
            pltpu.VMEM((2 * HALF,), jnp.int32),
            pltpu.VMEM((2 * HALF,), jnp.int32),
            pltpu.SemaphoreType.DMA,
            pltpu.SemaphoreType.DMA,
            pltpu.SemaphoreType.DMA,
        ],
    )(_sc_sort_kernel)
    return kern(x)


def _mask_body(x_ref, kthr_ref, jthr_ref, o_ref):
    qb = pl.program_id(0)
    rows = x_ref.shape[0]
    s = x_ref[...]
    bv = lax.bitcast_convert_type(s, jnp.int32)
    key = jnp.where(bv >= 0, bv, INT_MIN - bv)
    col = lax.broadcasted_iota(jnp.int32, s.shape, 1)
    q0 = (qb * rows) % Q_DIM
    rowq = lax.broadcasted_iota(jnp.int32, s.shape, 0) + q0
    key = jnp.where(col > rowq, INT_MIN, key)
    kthr = jnp.broadcast_to(kthr_ref[:, 0:1], s.shape)
    jthr = jnp.broadcast_to(jthr_ref[:, 0:1], s.shape)
    o_ref[...] = (key > kthr) | ((key == kthr) & (col <= jthr))


def _tc_mask(x, kthr, jthr):
    rows = 256
    grid = (R_TOTAL // rows,)
    return pl.pallas_call(
        _mask_body,
        grid=grid,
        in_specs=[
            pl.BlockSpec((rows, N_DIM), lambda i: (i, 0)),
            pl.BlockSpec((rows, 8), lambda i: (i, 0)),
            pl.BlockSpec((rows, 8), lambda i: (i, 0)),
        ],
        out_specs=pl.BlockSpec((rows, N_DIM), lambda i: (i, 0)),
        out_shape=jax.ShapeDtypeStruct((R_TOTAL, N_DIM), jnp.bool_),
    )(x, kthr, jthr)


def kernel(index_scores):
    x = index_scores.reshape(R_TOTAL, N_DIM)
    idx, kthr, jthr = _sc_topk(x)
    kthr8 = jnp.broadcast_to(kthr[:, None], (R_TOTAL, 8))
    jthr8 = jnp.broadcast_to(jthr[:, None], (R_TOTAL, 8))
    mask = _tc_mask(x, kthr8, jthr8)
    return (mask.reshape(B_DIM, Q_DIM, N_DIM),
            idx.reshape(B_DIM, Q_DIM, K_TOP))

# --- scband reference (transcript-rebuilt; emitter-appended) ---
"""Pipeline reference for scband-top-ktoken-selector-44392781971819 (READ-ONLY COPY).

The authoritative reference and input builder live on the scoring server;
editing this copy changes nothing except your own understanding.
"""

import jax, jax.numpy as jnp
import numpy as np

TOP_K = 2048


def setup_inputs(seed: int = 0) -> dict:
    key = jax.random.key(seed)
    index_scores = jax.random.normal(key, (2, 4096, 4096), dtype=jnp.float32)
    return {"index_scores": index_scores}


def reference(index_scores):
    b, q, kdim = index_scores.shape
    # causal mask: True above the diagonal (future tokens)
    causal = jnp.triu(jnp.ones((q, kdim), dtype=jnp.float32), k=1).astype(bool)
    scores = jnp.where(causal[None, :, :], jnp.float32(-1e9), index_scores)
    actual_k = min(TOP_K, kdim)
    top_vals, top_idx = jax.lax.top_k(scores, actual_k)
    bi = jnp.arange(b)[:, None, None]
    qi = jnp.arange(q)[None, :, None]
    top_k_mask = jnp.zeros((b, q, kdim), dtype=bool).at[bi, qi, top_idx].set(True)
    return top_k_mask, top_idx

if __name__ == "__main__":
    import jax
    _d = setup_inputs()
    print(jax.jit(kernel)(*tuple(_d.values())))

</pallas_src>

<mosaic_0001>
#map = affine_map<(d0, d1) -> (0, 0)>
#map1 = affine_map<(d0, d1) -> (0)>
module attributes {stable_mosaic.version = 14 : i64} {
  func.func @_sc_sort_kernel(%arg0: i32, %arg1: i32, %arg2: memref<8192x4096xf32, #tpu.memory_space<hbm>>, %arg3: memref<8192x2048xi32, #tpu.memory_space<hbm>>, %arg4: memref<8192xi32, #tpu.memory_space<hbm>>, %arg5: memref<8192xi32, #tpu.memory_space<hbm>>, %arg6: memref<4096xf32, #tpu.memory_space<vmem>>, %arg7: memref<4096xf32, #tpu.memory_space<vmem>>, %arg8: memref<4096xi32, #tpu.memory_space<vmem>>, %arg9: memref<4096xi32, #tpu.memory_space<vmem>>, %arg10: memref<4096xi32, #tpu.memory_space<vmem>>, %arg11: memref<4096xi32, #tpu.memory_space<vmem>>, %arg12: memref<4096xi32, #tpu.memory_space<vmem>>, %arg13: memref<256xi32, #tpu.memory_space<vmem>>, %arg14: memref<256xi32, #tpu.memory_space<vmem>>, %arg15: memref<256xi32, #tpu.memory_space<vmem>>, %arg16: memref<256xi32, #tpu.memory_space<vmem>>, %arg17: memref<!tpu.dma_semaphore, #tpu.memory_space<semaphore_mem>>, %arg18: memref<!tpu.dma_semaphore, #tpu.memory_space<semaphore_mem>>, %arg19: memref<!tpu.dma_semaphore, #tpu.memory_space<semaphore_mem>>) attributes {dimension_semantics = [#tpu.dimension_semantics<core_parallel>, #tpu.dimension_semantics<subcore_parallel>], iteration_bounds = array<i64: 2, 16>, scalar_prefetch = 0 : i64, scratch_operands = 14 : i64, tpu.core_type = #tpu.core_type<sc_vector_subcore>, window_params = [{transform_indices = #map}, {transform_indices = #map}, {transform_indices = #map1}, {transform_indices = #map1}]} {
    %mul3A = arith.constant 2 : i32
    %mul3A_0 = arith.muli %arg1, %mul3A : i32
    %add3A = arith.addi %mul3A_0, %arg0 : i32
    %iota3A = tpu.iota {dimensions = array<i32: 0>} : vector<16xi32>
    %broadcast_in_dim3A = arith.constant 1 : i32
    %broadcast_in_dim3A_1 = vector.broadcast %broadcast_in_dim3A : i32 to vector<16xi32>
    %mul3A_2 = arith.constant 128 : i32
    %mul3A_3 = arith.muli %add3A, %mul3A_2 : i32
    %add3A_4 = arith.constant 0 : i32
    %add3A_5 = arith.addi %mul3A_3, %add3A_4 : i32
    %mul3A_6 = arith.constant 128 : i32
    %mul3A_7 = arith.muli %add3A, %mul3A_6 : i32
    %sub3A = arith.constant 8191 : i32
    %sub3A_8 = arith.subi %sub3A, %mul3A_7 : i32
    %sub3A_9 = arith.constant 0 : i32
    %sub3A_10 = arith.constant 128 : i32
    %sub3A_11 = arith.subi %sub3A_9, %sub3A_10 : i32
    %sub3A_12 = arith.subi %sub3A_8, %sub3A_11 : i32
    %lt3A = arith.constant 0 : i32
    %lt3A_13 = arith.constant 128 : i32
    %lt3A_14 = arith.cmpi slt, %lt3A, %lt3A_13 : i32
    %select_n3A = arith.select %lt3A_14, %add3A_5, %sub3A_12 : i32
    %dma_start3A = arith.constant 0 : i32
    %dma_start3A_15 = tpu.memref_slice %arg2[%select_n3A, %dma_start3A] : memref<8192x4096xf32, #tpu.memory_space<hbm>> -> memref<1x4096xf32, #tpu.memory_space<hbm>>
    %dma_start3A_16 = tpu.memref_squeeze %dma_start3A_15 : memref<1x4096xf32, #tpu.memory_space<hbm>> -> memref<4096xf32, #tpu.memory_space<hbm>>
    %dma_start3A_17 = arith.constant 0 : i32
    %dma_start3A_18 = tpu.memref_slice %arg2[%select_n3A, %dma_start3A_17] : memref<8192x4096xf32, #tpu.memory_space<hbm>> -> memref<1x4096xf32, #tpu.memory_space<hbm>>
    %dma_start3A_19 = tpu.memref_squeeze %dma_start3A_18 : memref<1x4096xf32, #tpu.memory_space<hbm>> -> memref<4096xf32, #tpu.memory_space<hbm>>
    tpu.enqueue_dma source(%dma_start3A_19 : memref<4096xf32, #tpu.memory_space<hbm>>) target(%arg6 : memref<4096xf32, #tpu.memory_space<vmem>>) target_semaphore(%arg17 : memref<!tpu.dma_semaphore, #tpu.memory_space<semaphore_mem>>)
    %dma_start3A_20 = arith.constant 0 : i32
    %dma_start3A_21 = tpu.memref_slice %arg9[%dma_start3A_20] : memref<4096xi32, #tpu.memory_space<vmem>> -> memref<2048xi32, #tpu.memory_space<vmem>>
    %dma_start3A_22 = arith.constant 0 : i32
    %dma_start3A_23 = tpu.memref_slice %arg3[%select_n3A, %dma_start3A_22] : memref<8192x2048xi32, #tpu.memory_space<hbm>> -> memref<1x2048xi32, #tpu.memory_space<hbm>>
    %dma_start3A_24 = tpu.memref_squeeze %dma_start3A_23 : memref<1x2048xi32, #tpu.memory_space<hbm>> -> memref<2048xi32, #tpu.memory_space<hbm>>
    %dma_start3A_25 = arith.constant 0 : i32
    %dma_start3A_26 = tpu.memref_slice %arg3[%select_n3A, %dma_start3A_25] : memref<8192x2048xi32, #tpu.memory_space<hbm>> -> memref<1x2048xi32, #tpu.memory_space<hbm>>
    %dma_start3A_27 = tpu.memref_squeeze %dma_start3A_26 : memref<1x2048xi32, #tpu.memory_space<hbm>> -> memref<2048xi32, #tpu.memory_space<hbm>>
    %dma_start3A_28 = arith.constant 0 : i32
    %dma_start3A_29 = tpu.memref_slice %arg9[%dma_start3A_28] : memref<4096xi32, #tpu.memory_space<vmem>> -> memref<2048xi32, #tpu.memory_space<vmem>>
    tpu.enqueue_dma source(%dma_start3A_29 : memref<2048xi32, #tpu.memory_space<vmem>>) target(%dma_start3A_27 : memref<2048xi32, #tpu.memory_space<hbm>>) target_semaphore(%arg19 : memref<!tpu.dma_semaphore, #tpu.memory_space<semaphore_mem>>)
    %scan3A = arith.constant 0 : i32
    %scan3A_30 = arith.constant 0 : i32
    %scan3A_31 = arith.constant 128 : i32
    %scan3A_32 = arith.addi %scan3A_30, %scan3A_31 : i32
    %scan3A_33 = arith.constant 1 : i32
    scf.for %scan3A_58 = %scan3A_30 to %scan3A_32 step %scan3A_33  : i32 {
      %mul3A_59 = arith.constant 2 : i32
      %mul3A_60 = arith.muli %mul3A_59, %scan3A_58 : i32
      %mul3A_61 = arith.constant 128 : i32
      %mul3A_62 = arith.muli %add3A, %mul3A_61 : i32
      %add3A_63 = arith.addi %mul3A_62, %mul3A_60 : i32
      %mul3A_64 = arith.constant 128 : i32
      %mul3A_65 = arith.muli %add3A, %mul3A_64 : i32
      %sub3A_66 = arith.constant 8191 : i32
      %sub3A_67 = arith.subi %sub3A_66, %mul3A_65 : i32
      %sub3A_68 = arith.constant 128 : i32
      %sub3A_69 = arith.subi %mul3A_60, %sub3A_68 : i32
      %sub3A_70 = arith.subi %sub3A_67, %sub3A_69 : i32
      %lt3A_71 = arith.constant 128 : i32
      %lt3A_72 = arith.cmpi slt, %mul3A_60, %lt3A_71 : i32
      %select_n3A_73 = arith.select %lt3A_72, %add3A_63, %sub3A_70 : i32
      %rem3A = arith.constant 4096 : i32
      %rem3A_74 = arith.remsi %select_n3A_73, %rem3A : i32
      %add3A_75 = arith.constant 16 : i32
      %add3A_76 = arith.addi %rem3A_74, %add3A_75 : i32
      %jit3A = arith.constant 16 : i32
      %div3A = arith.divsi %add3A_76, %jit3A : i32
      %sign3A = arith.constant 0 : i32
      %sign3A_77 = arith.cmpi sgt, %add3A_76, %sign3A : i32
      %sign3A_78 = arith.extui %sign3A_77 : i1 to i32
      %sign3A_79 = arith.constant 0 : i32
      %sign3A_80 = arith.cmpi slt, %add3A_76, %sign3A_79 : i32
      %sign3A_81 = arith.extui %sign3A_80 : i1 to i32
      %sign3A_82 = arith.subi %sign3A_78, %sign3A_81 : i32
      %sign3A_83 = arith.constant 0 : i32
      %sign3A_84 = arith.cmpi sgt, %jit3A, %sign3A_83 : i32
      %sign3A_85 = arith.extui %sign3A_84 : i1 to i32
      %sign3A_86 = arith.constant 0 : i32
      %sign3A_87 = arith.cmpi slt, %jit3A, %sign3A_86 : i32
      %sign3A_88 = arith.extui %sign3A_87 : i1 to i32
      %sign3A_89 = arith.subi %sign3A_85, %sign3A_88 : i32
      %ne3A = arith.cmpi ne, %sign3A_82, %sign3A_89 : i32
      %rem3A_90 = arith.remsi %add3A_76, %jit3A : i32
      %ne3A_91 = arith.constant 0 : i32
      %ne3A_92 = arith.cmpi ne, %rem3A_90, %ne3A_91 : i32
      %and3A = arith.andi %ne3A, %ne3A_92 : i1
      %sub3A_93 = arith.constant 1 : i32
      %sub3A_94 = arith.subi %div3A, %sub3A_93 : i32
      %select_n3A_95 = arith.select %and3A, %sub3A_94, %div3A : i32
      %add3A_96 = arith.constant 1 : i32
      %add3A_97 = arith.addi %mul3A_60, %add3A_96 : i32
      %min3A = arith.constant 255 : i32
      %min3A_98 = arith.minsi %add3A_97, %min3A : i32
      %mul3A_99 = arith.constant 128 : i32
      %mul3A_100 = arith.muli %add3A, %mul3A_99 : i32
      %add3A_101 = arith.addi %mul3A_100, %min3A_98 : i32
      %mul3A_102 = arith.constant 128 : i32
      %mul3A_103 = arith.muli %add3A, %mul3A_102 : i32
      %sub3A_104 = arith.constant 8191 : i32
      %sub3A_105 = arith.subi %sub3A_104, %mul3A_103 : i32
      %sub3A_106 = arith.constant 128 : i32
      %sub3A_107 = arith.subi %min3A_98, %sub3A_106 : i32
      %sub3A_108 = arith.subi %sub3A_105, %sub3A_107 : i32
      %lt3A_109 = arith.constant 128 : i32
      %lt3A_110 = arith.cmpi slt, %min3A_98, %lt3A_109 : i32
      %select_n3A_111 = arith.select %lt3A_110, %add3A_101, %sub3A_108 : i32
      %dma_start3A_112 = arith.constant 0 : i32
      %dma_start3A_113 = tpu.memref_slice %arg2[%select_n3A_111, %dma_start3A_112] : memref<8192x4096xf32, #tpu.memory_space<hbm>> -> memref<1x4096xf32, #tpu.memory_space<hbm>>
      %dma_start3A_114 = tpu.memref_squeeze %dma_start3A_113 : memref<1x4096xf32, #tpu.memory_space<hbm>> -> memref<4096xf32, #tpu.memory_space<hbm>>
      %dma_start3A_115 = arith.constant 0 : i32
      %dma_start3A_116 = tpu.memref_slice %arg2[%select_n3A_111, %dma_start3A_115] : memref<8192x4096xf32, #tpu.memory_space<hbm>> -> memref<1x4096xf32, #tpu.memory_space<hbm>>
      %dma_start3A_117 = tpu.memref_squeeze %dma_start3A_116 : memref<1x4096xf32, #tpu.memory_space<hbm>> -> memref<4096xf32, #tpu.memory_space<hbm>>
      tpu.enqueue_dma source(%dma_start3A_117 : memref<4096xf32, #tpu.memory_space<hbm>>) target(%arg7 : memref<4096xf32, #tpu.memory_space<vmem>>) target_semaphore(%arg18 : memref<!tpu.dma_semaphore, #tpu.memory_space<semaphore_mem>>)
      %dma_wait3A_118 = arith.constant 0 : i32
      %dma_wait3A_119 = tpu.memref_slice %arg2[%select_n3A_73, %dma_wait3A_118] : memref<8192x4096xf32, #tpu.memory_space<hbm>> -> memref<1x4096xf32, #tpu.memory_space<hbm>>
      %dma_wait3A_120 = tpu.memref_squeeze %dma_wait3A_119 : memref<1x4096xf32, #tpu.memory_space<hbm>> -> memref<4096xf32, #tpu.memory_space<hbm>>
      %dma_wait3A_121 = arith.constant 0 : i32
      %dma_wait3A_122 = tpu.memref_slice %arg2[%select_n3A_73, %dma_wait3A_121] : memref<8192x4096xf32, #tpu.memory_space<hbm>> -> memref<1x4096xf32, #tpu.memory_space<hbm>>
      %dma_wait3A_123 = tpu.memref_squeeze %dma_wait3A_122 : memref<1x4096xf32, #tpu.memory_space<hbm>> -> memref<4096xf32, #tpu.memory_space<hbm>>
      tpu.wait_dma2 semaphore(%arg17 : memref<!tpu.dma_semaphore, #tpu.memory_space<semaphore_mem>>) src(%dma_wait3A_123 : memref<4096xf32, #tpu.memory_space<hbm>>) dst(%arg6 : memref<4096xf32, #tpu.memory_space<vmem>>)
      %scan3A_124 = arith.constant 0 : i32
      %scan3A_125 = arith.constant 0 : i32
      %scan3A_126 = arith.constant 16 : i32
      %scan3A_127 = arith.addi %scan3A_125, %scan3A_126 : i32
      %scan3A_128 = arith.constant 1 : i32
      scf.for %scan3A_578 = %scan3A_125 to %scan3A_127 step %scan3A_128  : i32 {
        %broadcast_in_dim3A_579 = arith.constant 0 : i32
        %broadcast_in_dim3A_580 = vector.broadcast %broadcast_in_dim3A_579 : i32 to vector<16xi32>
        %mul3A_581 = arith.constant 16 : i32
        %mul3A_582 = arith.muli %scan3A_578, %mul3A_581 : i32
        %swap3A_583 = arith.index_cast %mul3A_582 : i32 to index
        %swap3A_584 = tpu.vector_load %arg13[%swap3A_583] {strides = array<i32>} : memref<256xi32, #tpu.memory_space<vmem>>, vector<16xi32>,
        tpu.vector_store %arg13[%swap3A_583], %broadcast_in_dim3A_580 {strides = array<i32>} : memref<256xi32, #tpu.memory_space<vmem>>, vector<16xi32>,
      }
      %scan3A_129 = arith.constant 16 : i32
      %sub3A_130 = arith.constant 1 : i32
      %sub3A_131 = arith.subi %select_n3A_95, %sub3A_130 : i32
      %while3A = arith.constant 0 : i32
      %while3A_132 = arith.constant 0 : i32
      %while3A_133 = arith.subi %sub3A_131, %while3A_132 : i32
      %while3A_134 = arith.addi %while3A_132, %while3A_133 : i32
      %while3A_135 = arith.constant 1 : i32
      %while3A_136 = arith.divsi %while3A_133, %while3A_135 : i32
      %while3A_137 = arith.muli %while3A_136, %while3A_135 : i32
      %while3A_138 = arith.addi %while3A_132, %while3A_137 : i32
      %while3A_139 = arith.constant 1 : i32
      scf.for %while3A_578 = %while3A_132 to %while3A_138 step %while3A_139  : i32 {
        %mul3A_579 = arith.constant 16 : i32
        %mul3A_580 = arith.muli %while3A_578, %mul3A_579 : i32
        %get3A_581 = arith.index_cast %mul3A_580 : i32 to index
        %get3A_582 = tpu.vector_load %arg6[%get3A_581] {strides = array<i32>} : memref<4096xf32, #tpu.memory_space<vmem>>, vector<16xf32>,
        %bitcast3A_583 = vector.bitcast %get3A_582 : vector<16xf32> to vector<16xi32>
        %ge3A_584 = arith.constant 0 : i32
        %ge3A_585 = vector.broadcast %ge3A_584 : i32 to vector<16xi32>
        %ge3A_586 = arith.cmpi sge, %bitcast3A_583, %ge3A_585 : vector<16xi32>
        %sub3A_587 = arith.constant -2147483648 : i32
        %sub3A_588 = vector.broadcast %sub3A_587 : i32 to vector<16xi32>
        %sub3A_589 = arith.subi %sub3A_588, %bitcast3A_583 : vector<16xi32>
        %select_n3A_590 = arith.select %ge3A_586, %bitcast3A_583, %sub3A_589 : vector<16xi1>, vector<16xi32>
        %broadcast_in_dim3A_591 = arith.constant 2147483647 : i32
        %broadcast_in_dim3A_592 = vector.broadcast %broadcast_in_dim3A_591 : i32 to vector<16xi32>
        %xor3A_593 = arith.xori %select_n3A_590, %broadcast_in_dim3A_592 : vector<16xi32>
        %mul3A_594 = arith.constant 16 : i32
        %mul3A_595 = arith.muli %while3A_578, %mul3A_594 : i32
        %swap3A_596 = arith.index_cast %mul3A_595 : i32 to index
        %swap3A_597 = tpu.vector_load %arg12[%swap3A_596] {strides = array<i32>} : memref<4096xi32, #tpu.memory_space<vmem>>, vector<16xi32>,
        tpu.vector_store %arg12[%swap3A_596], %xor3A_593 {strides = array<i32>} : memref<4096xi32, #tpu.memory_space<vmem>>, vector<16xi32>,
        %broadcast_in_dim3A_598 = arith.constant 255 : i32
        %broadcast_in_dim3A_599 = vector.broadcast %broadcast_in_dim3A_598 : i32 to vector<16xi32>
        %and3A_600 = arith.andi %xor3A_593, %broadcast_in_dim3A_599 : vector<16xi32>
        tpu.vector_store_idx %arg13[%and3A_600], %broadcast_in_dim3A_1 {add = true} : memref<256xi32, #tpu.memory_space<vmem>>[vector<16xi32>], vector<16xi32>,
      }
      %while3A_140 = arith.constant 1 : i32
      scf.for %while3A_578 = %while3A_138 to %while3A_134 step %while3A_140  : i32 {
        %mul3A_579 = arith.constant 16 : i32
        %mul3A_580 = arith.muli %while3A_578, %mul3A_579 : i32
        %get3A_581 = arith.index_cast %mul3A_580 : i32 to index
        %get3A_582 = tpu.vector_load %arg6[%get3A_581] {strides = array<i32>} : memref<4096xf32, #tpu.memory_space<vmem>>, vector<16xf32>,
        %bitcast3A_583 = vector.bitcast %get3A_582 : vector<16xf32> to vector<16xi32>
        %ge3A_584 = arith.constant 0 : i32
        %ge3A_585 = vector.broadcast %ge3A_584 : i32 to vector<16xi32>
        %ge3A_586 = arith.cmpi sge, %bitcast3A_583, %ge3A_585 : vector<16xi32>
        %sub3A_587 = arith.constant -2147483648 : i32
        %sub3A_588 = vector.broadcast %sub3A_587 : i32 to vector<16xi32>
        %sub3A_589 = arith.subi %sub3A_588, %bitcast3A_583 : vector<16xi32>
        %select_n3A_590 = arith.select %ge3A_586, %bitcast3A_583, %sub3A_589 : vector<16xi1>, vector<16xi32>
        %broadcast_in_dim3A_591 = arith.constant 2147483647 : i32
        %broadcast_in_dim3A_592 = vector.broadcast %broadcast_in_dim3A_591 : i32 to vector<16xi32>
        %xor3A_593 = arith.xori %select_n3A_590, %broadcast_in_dim3A_592 : vector<16xi32>
        %mul3A_594 = arith.constant 16 : i32
        %mul3A_595 = arith.muli %while3A_578, %mul3A_594 : i32
        %swap3A_596 = arith.index_cast %mul3A_595 : i32 to index
        %swap3A_597 = tpu.vector_load %arg12[%swap3A_596] {strides = array<i32>} : memref<4096xi32, #tpu.memory_space<vmem>>, vector<16xi32>,
        tpu.vector_store %arg12[%swap3A_596], %xor3A_593 {strides = array<i32>} : memref<4096xi32, #tpu.memory_space<vmem>>, vector<16xi32>,
        %broadcast_in_dim3A_598 = arith.constant 255 : i32
        %broadcast_in_dim3A_599 = vector.broadcast %broadcast_in_dim3A_598 : i32 to vector<16xi32>
        %and3A_600 = arith.andi %xor3A_593, %broadcast_in_dim3A_599 : vector<16xi32>
        tpu.vector_store_idx %arg13[%and3A_600], %broadcast_in_dim3A_1 {add = true} : memref<256xi32, #tpu.memory_space<vmem>>[vector<16xi32>], vector<16xi32>,
      }
      %sub3A_141 = arith.constant 1 : i32
      %sub3A_142 = arith.subi %select_n3A_95, %sub3A_141 : i32
      %mul3A_143 = arith.constant 16 : i32
      %mul3A_144 = arith.muli %sub3A_142, %mul3A_143 : i32
      %add3A_145 = vector.broadcast %mul3A_144 : i32 to vector<16xi32>
      %add3A_146 = arith.addi %iota3A, %add3A_145 : vector<16xi32>
      %le3A = vector.broadcast %rem3A_74 : i32 to vector<16xi32>
      %le3A_147 = arith.cmpi sle, %add3A_146, %le3A : vector<16xi32>
      %mul3A_148 = arith.constant 16 : i32
      %mul3A_149 = arith.muli %sub3A_142, %mul3A_148 : i32
      %get3A = arith.index_cast %mul3A_149 : i32 to index
      %get3A_150 = tpu.vector_load %arg6[%get3A] {strides = array<i32>} : memref<4096xf32, #tpu.memory_space<vmem>>, vector<16xf32>,
      %bitcast3A = vector.bitcast %get3A_150 : vector<16xf32> to vector<16xi32>
      %ge3A = arith.constant 0 : i32
      %ge3A_151 = vector.broadcast %ge3A : i32 to vector<16xi32>
      %ge3A_152 = arith.cmpi sge, %bitcast3A, %ge3A_151 : vector<16xi32>
      %sub3A_153 = arith.constant -2147483648 : i32
      %sub3A_154 = vector.broadcast %sub3A_153 : i32 to vector<16xi32>
      %sub3A_155 = arith.subi %sub3A_154, %bitcast3A : vector<16xi32>
      %select_n3A_156 = arith.select %ge3A_152, %bitcast3A, %sub3A_155 : vector<16xi1>, vector<16xi32>
      %broadcast_in_dim3A_157 = arith.constant 2147483647 : i32
      %broadcast_in_dim3A_158 = vector.broadcast %broadcast_in_dim3A_157 : i32 to vector<16xi32>
      %xor3A = arith.xori %select_n3A_156, %broadcast_in_dim3A_158 : vector<16xi32>
      %broadcast_in_dim3A_159 = arith.constant -1 : i32
      %broadcast_in_dim3A_160 = vector.broadcast %broadcast_in_dim3A_159 : i32 to vector<16xi32>
      %select_n3A_161 = arith.select %le3A_147, %xor3A, %broadcast_in_dim3A_160 : vector<16xi1>, vector<16xi32>
      %mul3A_162 = arith.constant 16 : i32
      %mul3A_163 = arith.muli %sub3A_142, %mul3A_162 : i32
      %swap3A = arith.index_cast %mul3A_163 : i32 to index
      %swap3A_164 = tpu.vector_load %arg12[%swap3A] {strides = array<i32>} : memref<4096xi32, #tpu.memory_space<vmem>>, vector<16xi32>,
      tpu.vector_store %arg12[%swap3A], %select_n3A_161 {strides = array<i32>} : memref<4096xi32, #tpu.memory_space<vmem>>, vector<16xi32>,
      %broadcast_in_dim3A_165 = arith.constant 255 : i32
      %broadcast_in_dim3A_166 = vector.broadcast %broadcast_in_dim3A_165 : i32 to vector<16xi32>
      %and3A_167 = arith.andi %select_n3A_161, %broadcast_in_dim3A_166 : vector<16xi32>
      tpu.vector_store_idx %arg13[%and3A_167], %broadcast_in_dim3A_1 {add = true} : memref<256xi32, #tpu.memory_space<vmem>>[vector<16xi32>], vector<16xi32>,
      %scan3A_168 = arith.constant -1 : i32
      %scan3A_169 = arith.constant 0 : i32
      %scan3A_170 = arith.constant 16 : i32
      %scan3A_171 = arith.addi %scan3A_169, %scan3A_170 : i32
      %scan3A_172 = arith.constant 1 : i32
      %scan3A_173 = scf.for %scan3A_578 = %scan3A_169 to %scan3A_171 step %scan3A_172 iter_args(%scan3A_579 = %scan3A_168) -> (i32)  : i32 {
        %mul3A_580 = arith.constant 16 : i32
        %mul3A_581 = arith.muli %scan3A_578, %mul3A_580 : i32
        %get3A_582 = arith.index_cast %mul3A_581 : i32 to index
        %get3A_583 = tpu.vector_load %arg13[%get3A_582] {strides = array<i32>} : memref<256xi32, #tpu.memory_space<vmem>>, vector<16xi32>,
        %broadcast_in_dim3A_584 = arith.constant true
        %broadcast_in_dim3A_585 = vector.broadcast %broadcast_in_dim3A_584 : i1 to vector<16xi1>
        %masked_cumsum3A = tpu.scan <sum>, %get3A_583 masked %broadcast_in_dim3A_585 : vector<16xi32>, vector<16xi1> -> vector<16xi32>
        %sub3A_586 = arith.subi %masked_cumsum3A, %get3A_583 : vector<16xi32>
        %add3A_587 = vector.broadcast %scan3A_579 : i32 to vector<16xi32>
        %add3A_588 = arith.addi %sub3A_586, %add3A_587 : vector<16xi32>
        %mul3A_589 = arith.constant 16 : i32
        %mul3A_590 = arith.muli %scan3A_578, %mul3A_589 : i32
        %swap3A_591 = arith.index_cast %mul3A_590 : i32 to index
        %swap3A_592 = tpu.vector_load %arg13[%swap3A_591] {strides = array<i32>} : memref<256xi32, #tpu.memory_space<vmem>>, vector<16xi32>,
        tpu.vector_store %arg13[%swap3A_591], %add3A_588 {strides = array<i32>} : memref<256xi32, #tpu.memory_space<vmem>>, vector<16xi32>,
        %slice3A_593 = vector.extract_strided_slice %masked_cumsum3A {offsets = [15], sizes = [1], strides = [1]} : vector<16xi32> to vector<1xi32>
        %squeeze3A_594 = vector.extract %slice3A_593[0] : i32 from vector<1xi32>
        %add3A_595 = arith.addi %scan3A_579, %squeeze3A_594 : i32
        scf.yield %add3A_595 : i32
      }
      %scan3A_174 = arith.constant 16 : i32
      %scan3A_175 = arith.constant 0 : i32
      %scan3A_176 = arith.constant 0 : i32
      %scan3A_177 = arith.constant 16 : i32
      %scan3A_178 = arith.addi %scan3A_176, %scan3A_177 : i32
      %scan3A_179 = arith.constant 1 : i32
      scf.for %scan3A_578 = %scan3A_176 to %scan3A_178 step %scan3A_179  : i32 {
        %broadcast_in_dim3A_579 = arith.constant 0 : i32
        %broadcast_in_dim3A_580 = vector.broadcast %broadcast_in_dim3A_579 : i32 to vector<16xi32>
        %mul3A_581 = arith.constant 16 : i32
        %mul3A_582 = arith.muli %scan3A_578, %mul3A_581 : i32
        %swap3A_583 = arith.index_cast %mul3A_582 : i32 to index
        %swap3A_584 = tpu.vector_load %arg14[%swap3A_583] {strides = array<i32>} : memref<256xi32, #tpu.memory_space<vmem>>, vector<16xi32>,
        tpu.vector_store %arg14[%swap3A_583], %broadcast_in_dim3A_580 {strides = array<i32>} : memref<256xi32, #tpu.memory_space<vmem>>, vector<16xi32>,
      }
      %scan3A_180 = arith.constant 16 : i32
      %while3A_181 = arith.constant 0 : i32
      %while3A_182 = arith.constant 0 : i32
      %while3A_183 = arith.subi %select_n3A_95, %while3A_182 : i32
      %while3A_184 = arith.addi %while3A_182, %while3A_183 : i32
      %while3A_185 = arith.constant 1 : i32
      %while3A_186 = arith.divsi %while3A_183, %while3A_185 : i32
      %while3A_187 = arith.muli %while3A_186, %while3A_185 : i32
      %while3A_188 = arith.addi %while3A_182, %while3A_187 : i32
      %while3A_189 = arith.constant 1 : i32
      scf.for %while3A_578 = %while3A_182 to %while3A_188 step %while3A_189  : i32 {
        %mul3A_579 = arith.constant 16 : i32
        %mul3A_580 = arith.muli %while3A_578, %mul3A_579 : i32
        %get3A_581 = arith.index_cast %mul3A_580 : i32 to index
        %get3A_582 = tpu.vector_load %arg12[%get3A_581] {strides = array<i32>} : memref<4096xi32, #tpu.memory_space<vmem>>, vector<16xi32>,
        %broadcast_in_dim3A_583 = arith.constant 255 : i32
        %broadcast_in_dim3A_584 = vector.broadcast %broadcast_in_dim3A_583 : i32 to vector<16xi32>
        %and3A_585 = arith.andi %get3A_582, %broadcast_in_dim3A_584 : vector<16xi32>
        %broadcast_in_dim3A_586 = arith.constant true
        %broadcast_in_dim3A_587 = vector.broadcast %broadcast_in_dim3A_586 : i1 to vector<16xi1>
        %unique3A, %unique3A_588 = tpu.scan_count mask(%broadcast_in_dim3A_587 : vector<16xi1>) value(%and3A_585 : vector<16xi32>) : vector<16xi1>, vector<16xi32>
        %gather3A_589 = tpu.vector_load_idx %arg13[%and3A_585] : memref<256xi32, #tpu.memory_space<vmem>>[vector<16xi32>], vector<16xi32>,
        %add3A_590 = arith.addi %gather3A_589, %unique3A_588 : vector<16xi32>
        %mul3A_591 = arith.constant 16 : i32
        %mul3A_592 = arith.muli %while3A_578, %mul3A_591 : i32
        %add3A_593 = vector.broadcast %mul3A_592 : i32 to vector<16xi32>
        %add3A_594 = arith.addi %iota3A, %add3A_593 : vector<16xi32>
        tpu.vector_store_idx %arg10[%add3A_590], %get3A_582 : memref<4096xi32, #tpu.memory_space<vmem>>[vector<16xi32>], vector<16xi32>,
        tpu.vector_store_idx %arg11[%add3A_590], %add3A_594 : memref<4096xi32, #tpu.memory_space<vmem>>[vector<16xi32>], vector<16xi32>,
        tpu.vector_store_idx %arg13[%and3A_585], %add3A_590 : memref<256xi32, #tpu.memory_space<vmem>>[vector<16xi32>], vector<16xi32>,
        %broadcast_in_dim3A_595 = arith.constant 8 : i32
        %broadcast_in_dim3A_596 = vector.broadcast %broadcast_in_dim3A_595 : i32 to vector<16xi32>
        %shift_right_logical3A = arith.shrui %get3A_582, %broadcast_in_dim3A_596 : vector<16xi32>
        %broadcast_in_dim3A_597 = arith.constant 255 : i32
        %broadcast_in_dim3A_598 = vector.broadcast %broadcast_in_dim3A_597 : i32 to vector<16xi32>
        %and3A_599 = arith.andi %shift_right_logical3A, %broadcast_in_dim3A_598 : vector<16xi32>
        tpu.vector_store_idx %arg14[%and3A_599], %broadcast_in_dim3A_1 {add = true} : memref<256xi32, #tpu.memory_space<vmem>>[vector<16xi32>], vector<16xi32>,
      }
      %while3A_190 = arith.constant 1 : i32
      scf.for %while3A_578 = %while3A_188 to %while3A_184 step %while3A_190  : i32 {
        %mul3A_579 = arith.constant 16 : i32
        %mul3A_580 = arith.muli %while3A_578, %mul3A_579 : i32
        %get3A_581 = arith.index_cast %mul3A_580 : i32 to index
        %get3A_582 = tpu.vector_load %arg12[%get3A_581] {strides = array<i32>} : memref<4096xi32, #tpu.memory_space<vmem>>, vector<16xi32>,
        %broadcast_in_dim3A_583 = arith.constant 255 : i32
        %broadcast_in_dim3A_584 = vector.broadcast %broadcast_in_dim3A_583 : i32 to vector<16xi32>
        %and3A_585 = arith.andi %get3A_582, %broadcast_in_dim3A_584 : vector<16xi32>
        %broadcast_in_dim3A_586 = arith.constant true
        %broadcast_in_dim3A_587 = vector.broadcast %broadcast_in_dim3A_586 : i1 to vector<16xi1>
        %unique3A, %unique3A_588 = tpu.scan_count mask(%broadcast_in_dim3A_587 : vector<16xi1>) value(%and3A_585 : vector<16xi32>) : vector<16xi1>, vector<16xi32>
        %gather3A_589 = tpu.vector_load_idx %arg13[%and3A_585] : memref<256xi32, #tpu.memory_space<vmem>>[vector<16xi32>], vector<16xi32>,
        %add3A_590 = arith.addi %gather3A_589, %unique3A_588 : vector<16xi32>
        %mul3A_591 = arith.constant 16 : i32
        %mul3A_592 = arith.muli %while3A_578, %mul3A_591 : i32
        %add3A_593 = vector.broadcast %mul3A_592 : i32 to vector<16xi32>
        %add3A_594 = arith.addi %iota3A, %add3A_593 : vector<16xi32>
        tpu.vector_store_idx %arg10[%add3A_590], %get3A_582 : memref<4096xi32, #tpu.memory_space<vmem>>[vector<16xi32>], vector<16xi32>,
        tpu.vector_store_idx %arg11[%add3A_590], %add3A_594 : memref<4096xi32, #tpu.memory_space<vmem>>[vector<16xi32>], vector<16xi32>,
        tpu.vector_store_idx %arg13[%and3A_585], %add3A_590 : memref<256xi32, #tpu.memory_space<vmem>>[vector<16xi32>], vector<16xi32>,
        %broadcast_in_dim3A_595 = arith.constant 8 : i32
        %broadcast_in_dim3A_596 = vector.broadcast %broadcast_in_dim3A_595 : i32 to vector<16xi32>
        %shift_right_logical3A = arith.shrui %get3A_582, %broadcast_in_dim3A_596 : vector<16xi32>
        %broadcast_in_dim3A_597 = arith.constant 255 : i32
        %broadcast_in_dim3A_598 = vector.broadcast %broadcast_in_dim3A_597 : i32 to vector<16xi32>
        %and3A_599 = arith.andi %shift_right_logical3A, %broadcast_in_dim3A_598 : vector<16xi32>
        tpu.vector_store_idx %arg14[%and3A_599], %broadcast_in_dim3A_1 {add = true} : memref<256xi32, #tpu.memory_space<vmem>>[vector<16xi32>], vector<16xi32>,
      }
      %dma_wait3A_191 = arith.constant 0 : i32
      %dma_wait3A_192 = tpu.memref_slice %arg9[%dma_wait3A_191] : memref<4096xi32, #tpu.memory_space<vmem>> -> memref<2048xi32, #tpu.memory_space<vmem>>
      %dma_wait3A_193 = arith.constant 0 : i32
      %dma_wait3A_194 = tpu.memref_slice %arg3[%select_n3A_73, %dma_wait3A_193] : memref<8192x2048xi32, #tpu.memory_space<hbm>> -> memref<1x2048xi32, #tpu.memory_space<hbm>>
      %dma_wait3A_195 = tpu.memref_squeeze %dma_wait3A_194 : memref<1x2048xi32, #tpu.memory_space<hbm>> -> memref<2048xi32, #tpu.memory_space<hbm>>
      %dma_wait3A_196 = arith.constant 0 : i32
      %dma_wait3A_197 = tpu.memref_slice %arg3[%select_n3A_73, %dma_wait3A_196] : memref<8192x2048xi32, #tpu.memory_space<hbm>> -> memref<1x2048xi32, #tpu.memory_space<hbm>>
      %dma_wait3A_198 = tpu.memref_squeeze %dma_wait3A_197 : memref<1x2048xi32, #tpu.memory_space<hbm>> -> memref<2048xi32, #tpu.memory_space<hbm>>
      %dma_wait3A_199 = arith.constant 0 : i32
      %dma_wait3A_200 = tpu.memref_slice %arg9[%dma_wait3A_199] : memref<4096xi32, #tpu.memory_space<vmem>> -> memref<2048xi32, #tpu.memory_space<vmem>>
      tpu.wait_dma2 semaphore(%arg19 : memref<!tpu.dma_semaphore, #tpu.memory_space<semaphore_mem>>) src(%dma_wait3A_200 : memref<2048xi32, #tpu.memory_space<vmem>>) dst(%dma_wait3A_198 : memref<2048xi32, #tpu.memory_space<hbm>>)
      %scan3A_201 = arith.constant -1 : i32
      %scan3A_202 = arith.constant 0 : i32
      %scan3A_203 = arith.constant 16 : i32
      %scan3A_204 = arith.addi %scan3A_202, %scan3A_203 : i32
      %scan3A_205 = arith.constant 1 : i32
      %scan3A_206 = scf.for %scan3A_578 = %scan3A_202 to %scan3A_204 step %scan3A_205 iter_args(%scan3A_579 = %scan3A_201) -> (i32)  : i32 {
        %mul3A_580 = arith.constant 16 : i32
        %mul3A_581 = arith.muli %scan3A_578, %mul3A_580 : i32
        %get3A_582 = arith.index_cast %mul3A_581 : i32 to index
        %get3A_583 = tpu.vector_load %arg14[%get3A_582] {strides = array<i32>} : memref<256xi32, #tpu.memory_space<vmem>>, vector<16xi32>,
        %broadcast_in_dim3A_584 = arith.constant true
        %broadcast_in_dim3A_585 = vector.broadcast %broadcast_in_dim3A_584 : i1 to vector<16xi1>
        %masked_cumsum3A = tpu.scan <sum>, %get3A_583 masked %broadcast_in_dim3A_585 : vector<16xi32>, vector<16xi1> -> vector<16xi32>
        %sub3A_586 = arith.subi %masked_cumsum3A, %get3A_583 : vector<16xi32>
        %add3A_587 = vector.broadcast %scan3A_579 : i32 to vector<16xi32>
        %add3A_588 = arith.addi %sub3A_586, %add3A_587 : vector<16xi32>
        %mul3A_589 = arith.constant 16 : i32
        %mul3A_590 = arith.muli %scan3A_578, %mul3A_589 : i32
        %swap3A_591 = arith.index_cast %mul3A_590 : i32 to index
        %swap3A_592 = tpu.vector_load %arg14[%swap3A_591] {strides = array<i32>} : memref<256xi32, #tpu.memory_space<vmem>>, vector<16xi32>,
        tpu.vector_store %arg14[%swap3A_591], %add3A_588 {strides = array<i32>} : memref<256xi32, #tpu.memory_space<vmem>>, vector<16xi32>,
        %slice3A_593 = vector.extract_strided_slice %masked_cumsum3A {offsets = [15], sizes = [1], strides = [1]} : vector<16xi32> to vector<1xi32>
        %squeeze3A_594 = vector.extract %slice3A_593[0] : i32 from vector<1xi32>
        %add3A_595 = arith.addi %scan3A_579, %squeeze3A_594 : i32
        scf.yield %add3A_595 : i32
      }
      %scan3A_207 = arith.constant 16 : i32
      %scan3A_208 = arith.constant 0 : i32
      %scan3A_209 = arith.constant 0 : i32
      %scan3A_210 = arith.constant 16 : i32
      %scan3A_211 = arith.addi %scan3A_209, %scan3A_210 : i32
      %scan3A_212 = arith.constant 1 : i32
      scf.for %scan3A_578 = %scan3A_209 to %scan3A_211 step %scan3A_212  : i32 {
        %broadcast_in_dim3A_579 = arith.constant 0 : i32
        %broadcast_in_dim3A_580 = vector.broadcast %broadcast_in_dim3A_579 : i32 to vector<16xi32>
        %mul3A_581 = arith.constant 16 : i32
        %mul3A_582 = arith.muli %scan3A_578, %mul3A_581 : i32
        %swap3A_583 = arith.index_cast %mul3A_582 : i32 to index
        %swap3A_584 = tpu.vector_load %arg13[%swap3A_583] {strides = array<i32>} : memref<256xi32, #tpu.memory_space<vmem>>, vector<16xi32>,
        tpu.vector_store %arg13[%swap3A_583], %broadcast_in_dim3A_580 {strides = array<i32>} : memref<256xi32, #tpu.memory_space<vmem>>, vector<16xi32>,
      }
      %scan3A_213 = arith.constant 16 : i32
      %while3A_214 = arith.constant 0 : i32
      %while3A_215 = arith.constant 0 : i32
      %while3A_216 = arith.subi %select_n3A_95, %while3A_215 : i32
      %while3A_217 = arith.addi %while3A_215, %while3A_216 : i32
      %while3A_218 = arith.constant 1 : i32
      %while3A_219 = arith.divsi %while3A_216, %while3A_218 : i32
      %while3A_220 = arith.muli %while3A_219, %while3A_218 : i32
      %while3A_221 = arith.addi %while3A_215, %while3A_220 : i32
      %while3A_222 = arith.constant 1 : i32
      scf.for %while3A_578 = %while3A_215 to %while3A_221 step %while3A_222  : i32 {
        %mul3A_579 = arith.constant 16 : i32
        %mul3A_580 = arith.muli %while3A_578, %mul3A_579 : i32
        %get3A_581 = arith.index_cast %mul3A_580 : i32 to index
        %get3A_582 = tpu.vector_load %arg10[%get3A_581] {strides = array<i32>} : memref<4096xi32, #tpu.memory_space<vmem>>, vector<16xi32>,
        %broadcast_in_dim3A_583 = arith.constant 8 : i32
        %broadcast_in_dim3A_584 = vector.broadcast %broadcast_in_dim3A_583 : i32 to vector<16xi32>
        %shift_right_logical3A = arith.shrui %get3A_582, %broadcast_in_dim3A_584 : vector<16xi32>
        %broadcast_in_dim3A_585 = arith.constant 255 : i32
        %broadcast_in_dim3A_586 = vector.broadcast %broadcast_in_dim3A_585 : i32 to vector<16xi32>
        %and3A_587 = arith.andi %shift_right_logical3A, %broadcast_in_dim3A_586 : vector<16xi32>
        %broadcast_in_dim3A_588 = arith.constant true
        %broadcast_in_dim3A_589 = vector.broadcast %broadcast_in_dim3A_588 : i1 to vector<16xi1>
        %unique3A, %unique3A_590 = tpu.scan_count mask(%broadcast_in_dim3A_589 : vector<16xi1>) value(%and3A_587 : vector<16xi32>) : vector<16xi1>, vector<16xi32>
        %gather3A_591 = tpu.vector_load_idx %arg14[%and3A_587] : memref<256xi32, #tpu.memory_space<vmem>>[vector<16xi32>], vector<16xi32>,
        %add3A_592 = arith.addi %gather3A_591, %unique3A_590 : vector<16xi32>
        %mul3A_593 = arith.constant 16 : i32
        %mul3A_594 = arith.muli %while3A_578, %mul3A_593 : i32
        %get3A_595 = arith.index_cast %mul3A_594 : i32 to index
        %get3A_596 = tpu.vector_load %arg11[%get3A_595] {strides = array<i32>} : memref<4096xi32, #tpu.memory_space<vmem>>, vector<16xi32>,
        tpu.vector_store_idx %arg8[%add3A_592], %get3A_582 : memref<4096xi32, #tpu.memory_space<vmem>>[vector<16xi32>], vector<16xi32>,
        tpu.vector_store_idx %arg9[%add3A_592], %get3A_596 : memref<4096xi32, #tpu.memory_space<vmem>>[vector<16xi32>], vector<16xi32>,
        tpu.vector_store_idx %arg14[%and3A_587], %add3A_592 : memref<256xi32, #tpu.memory_space<vmem>>[vector<16xi32>], vector<16xi32>,
        %broadcast_in_dim3A_597 = arith.constant 16 : i32
        %broadcast_in_dim3A_598 = vector.broadcast %broadcast_in_dim3A_597 : i32 to vector<16xi32>
        %shift_right_logical3A_599 = arith.shrui %get3A_582, %broadcast_in_dim3A_598 : vector<16xi32>
        %broadcast_in_dim3A_600 = arith.constant 255 : i32
        %broadcast_in_dim3A_601 = vector.broadcast %broadcast_in_dim3A_600 : i32 to vector<16xi32>
        %and3A_602 = arith.andi %shift_right_logical3A_599, %broadcast_in_dim3A_601 : vector<16xi32>
        tpu.vector_store_idx %arg13[%and3A_602], %broadcast_in_dim3A_1 {add = true} : memref<256xi32, #tpu.memory_space<vmem>>[vector<16xi32>], vector<16xi32>,
      }
      %while3A_223 = arith.constant 1 : i32
      scf.for %while3A_578 = %while3A_221 to %while3A_217 step %while3A_223  : i32 {
        %mul3A_579 = arith.constant 16 : i32
        %mul3A_580 = arith.muli %while3A_578, %mul3A_579 : i32
        %get3A_581 = arith.index_cast %mul3A_580 : i32 to index
        %get3A_582 = tpu.vector_load %arg10[%get3A_581] {strides = array<i32>} : memref<4096xi32, #tpu.memory_space<vmem>>, vector<16xi32>,
        %broadcast_in_dim3A_583 = arith.constant 8 : i32
        %broadcast_in_dim3A_584 = vector.broadcast %broadcast_in_dim3A_583 : i32 to vector<16xi32>
        %shift_right_logical3A = arith.shrui %get3A_582, %broadcast_in_dim3A_584 : vector<16xi32>
        %broadcast_in_dim3A_585 = arith.constant 255 : i32
        %broadcast_in_dim3A_586 = vector.broadcast %broadcast_in_dim3A_585 : i32 to vector<16xi32>
        %and3A_587 = arith.andi %shift_right_logical3A, %broadcast_in_dim3A_586 : vector<16xi32>
        %broadcast_in_dim3A_588 = arith.constant true
        %broadcast_in_dim3A_589 = vector.broadcast %broadcast_in_dim3A_588 : i1 to vector<16xi1>
        %unique3A, %unique3A_590 = tpu.scan_count mask(%broadcast_in_dim3A_589 : vector<16xi1>) value(%and3A_587 : vector<16xi32>) : vector<16xi1>, vector<16xi32>
        %gather3A_591 = tpu.vector_load_idx %arg14[%and3A_587] : memref<256xi32, #tpu.memory_space<vmem>>[vector<16xi32>], vector<16xi32>,
        %add3A_592 = arith.addi %gather3A_591, %unique3A_590 : vector<16xi32>
        %mul3A_593 = arith.constant 16 : i32
        %mul3A_594 = arith.muli %while3A_578, %mul3A_593 : i32
        %get3A_595 = arith.index_cast %mul3A_594 : i32 to index
        %get3A_596 = tpu.vector_load %arg11[%get3A_595] {strides = array<i32>} : memref<4096xi32, #tpu.memory_space<vmem>>, vector<16xi32>,
        tpu.vector_store_idx %arg8[%add3A_592], %get3A_582 : memref<4096xi32, #tpu.memory_space<vmem>>[vector<16xi32>], vector<16xi32>,
        tpu.vector_store_idx %arg9[%add3A_592], %get3A_596 : memref<4096xi32, #tpu.memory_space<vmem>>[vector<16xi32>], vector<16xi32>,
        tpu.vector_store_idx %arg14[%and3A_587], %add3A_592 : memref<256xi32, #tpu.memory_space<vmem>>[vector<16xi32>], vector<16xi32>,
        %broadcast_in_dim3A_597 = arith.constant 16 : i32
        %broadcast_in_dim3A_598 = vector.broadcast %broadcast_in_dim3A_597 : i32 to vector<16xi32>
        %shift_right_logical3A_599 = arith.shrui %get3A_582, %broadcast_in_dim3A_598 : vector<16xi32>
        %broadcast_in_dim3A_600 = arith.constant 255 : i32
        %broadcast_in_dim3A_601 = vector.broadcast %broadcast_in_dim3A_600 : i32 to vector<16xi32>
        %and3A_602 = arith.andi %shift_right_logical3A_599, %broadcast_in_dim3A_601 : vector<16xi32>
        tpu.vector_store_idx %arg13[%and3A_602], %broadcast_in_dim3A_1 {add = true} : memref<256xi32, #tpu.memory_space<vmem>>[vector<16xi32>], vector<16xi32>,
      }
      %scan3A_224 = arith.constant -1 : i32
      %scan3A_225 = arith.constant 0 : i32
      %scan3A_226 = arith.constant 16 : i32
      %scan3A_227 = arith.addi %scan3A_225, %scan3A_226 : i32
      %scan3A_228 = arith.constant 1 : i32
      %scan3A_229 = scf.for %scan3A_578 = %scan3A_225 to %scan3A_227 step %scan3A_228 iter_args(%scan3A_579 = %scan3A_224) -> (i32)  : i32 {
        %mul3A_580 = arith.constant 16 : i32
        %mul3A_581 = arith.muli %scan3A_578, %mul3A_580 : i32
        %get3A_582 = arith.index_cast %mul3A_581 : i32 to index
        %get3A_583 = tpu.vector_load %arg13[%get3A_582] {strides = array<i32>} : memref<256xi32, #tpu.memory_space<vmem>>, vector<16xi32>,
        %broadcast_in_dim3A_584 = arith.constant true
        %broadcast_in_dim3A_585 = vector.broadcast %broadcast_in_dim3A_584 : i1 to vector<16xi1>
        %masked_cumsum3A = tpu.scan <sum>, %get3A_583 masked %broadcast_in_dim3A_585 : vector<16xi32>, vector<16xi1> -> vector<16xi32>
        %sub3A_586 = arith.subi %masked_cumsum3A, %get3A_583 : vector<16xi32>
        %add3A_587 = vector.broadcast %scan3A_579 : i32 to vector<16xi32>
        %add3A_588 = arith.addi %sub3A_586, %add3A_587 : vector<16xi32>
        %mul3A_589 = arith.constant 16 : i32
        %mul3A_590 = arith.muli %scan3A_578, %mul3A_589 : i32
        %swap3A_591 = arith.index_cast %mul3A_590 : i32 to index
        %swap3A_592 = tpu.vector_load %arg13[%swap3A_591] {strides = array<i32>} : memref<256xi32, #tpu.memory_space<vmem>>, vector<16xi32>,
        tpu.vector_store %arg13[%swap3A_591], %add3A_588 {strides = array<i32>} : memref<256xi32, #tpu.memory_space<vmem>>, vector<16xi32>,
        %slice3A_593 = vector.extract_strided_slice %masked_cumsum3A {offsets = [15], sizes = [1], strides = [1]} : vector<16xi32> to vector<1xi32>
        %squeeze3A_594 = vector.extract %slice3A_593[0] : i32 from vector<1xi32>
        %add3A_595 = arith.addi %scan3A_579, %squeeze3A_594 : i32
        scf.yield %add3A_595 : i32
      }
      %scan3A_230 = arith.constant 16 : i32
      %scan3A_231 = arith.constant 0 : i32
      %scan3A_232 = arith.constant 0 : i32
      %scan3A_233 = arith.constant 16 : i32
      %scan3A_234 = arith.addi %scan3A_232, %scan3A_233 : i32
      %scan3A_235 = arith.constant 1 : i32
      scf.for %scan3A_578 = %scan3A_232 to %scan3A_234 step %scan3A_235  : i32 {
        %broadcast_in_dim3A_579 = arith.constant 0 : i32
        %broadcast_in_dim3A_580 = vector.broadcast %broadcast_in_dim3A_579 : i32 to vector<16xi32>
        %mul3A_581 = arith.constant 16 : i32
        %mul3A_582 = arith.muli %scan3A_578, %mul3A_581 : i32
        %swap3A_583 = arith.index_cast %mul3A_582 : i32 to index
        %swap3A_584 = tpu.vector_load %arg14[%swap3A_583] {strides = array<i32>} : memref<256xi32, #tpu.memory_space<vmem>>, vector<16xi32>,
        tpu.vector_store %arg14[%swap3A_583], %broadcast_in_dim3A_580 {strides = array<i32>} : memref<256xi32, #tpu.memory_space<vmem>>, vector<16xi32>,
      }
      %scan3A_236 = arith.constant 16 : i32
      %while3A_237 = arith.constant 0 : i32
      %while3A_238 = arith.constant 0 : i32
      %while3A_239 = arith.subi %select_n3A_95, %while3A_238 : i32
      %while3A_240 = arith.addi %while3A_238, %while3A_239 : i32
      %while3A_241 = arith.constant 1 : i32
      %while3A_242 = arith.divsi %while3A_239, %while3A_241 : i32
      %while3A_243 = arith.muli %while3A_242, %while3A_241 : i32
      %while3A_244 = arith.addi %while3A_238, %while3A_243 : i32
      %while3A_245 = arith.constant 1 : i32
      scf.for %while3A_578 = %while3A_238 to %while3A_244 step %while3A_245  : i32 {
        %mul3A_579 = arith.constant 16 : i32
        %mul3A_580 = arith.muli %while3A_578, %mul3A_579 : i32
        %get3A_581 = arith.index_cast %mul3A_580 : i32 to index
        %get3A_582 = tpu.vector_load %arg8[%get3A_581] {strides = array<i32>} : memref<4096xi32, #tpu.memory_space<vmem>>, vector<16xi32>,
        %broadcast_in_dim3A_583 = arith.constant 16 : i32
        %broadcast_in_dim3A_584 = vector.broadcast %broadcast_in_dim3A_583 : i32 to vector<16xi32>
        %shift_right_logical3A = arith.shrui %get3A_582, %broadcast_in_dim3A_584 : vector<16xi32>
        %broadcast_in_dim3A_585 = arith.constant 255 : i32
        %broadcast_in_dim3A_586 = vector.broadcast %broadcast_in_dim3A_585 : i32 to vector<16xi32>
        %and3A_587 = arith.andi %shift_right_logical3A, %broadcast_in_dim3A_586 : vector<16xi32>
        %broadcast_in_dim3A_588 = arith.constant true
        %broadcast_in_dim3A_589 = vector.broadcast %broadcast_in_dim3A_588 : i1 to vector<16xi1>
        %unique3A, %unique3A_590 = tpu.scan_count mask(%broadcast_in_dim3A_589 : vector<16xi1>) value(%and3A_587 : vector<16xi32>) : vector<16xi1>, vector<16xi32>
        %gather3A_591 = tpu.vector_load_idx %arg13[%and3A_587] : memref<256xi32, #tpu.memory_space<vmem>>[vector<16xi32>], vector<16xi32>,
        %add3A_592 = arith.addi %gather3A_591, %unique3A_590 : vector<16xi32>
        %mul3A_593 = arith.constant 16 : i32
        %mul3A_594 = arith.muli %while3A_578, %mul3A_593 : i32
        %get3A_595 = arith.index_cast %mul3A_594 : i32 to index
        %get3A_596 = tpu.vector_load %arg9[%get3A_595] {strides = array<i32>} : memref<4096xi32, #tpu.memory_space<vmem>>, vector<16xi32>,
        tpu.vector_store_idx %arg10[%add3A_592], %get3A_582 : memref<4096xi32, #tpu.memory_space<vmem>>[vector<16xi32>], vector<16xi32>,
        tpu.vector_store_idx %arg11[%add3A_592], %get3A_596 : memref<4096xi32, #tpu.memory_space<vmem>>[vector<16xi32>], vector<16xi32>,
        tpu.vector_store_idx %arg13[%and3A_587], %add3A_592 : memref<256xi32, #tpu.memory_space<vmem>>[vector<16xi32>], vector<16xi32>,
        %broadcast_in_dim3A_597 = arith.constant 24 : i32
        %broadcast_in_dim3A_598 = vector.broadcast %broadcast_in_dim3A_597 : i32 to vector<16xi32>
        %shift_right_logical3A_599 = arith.shrui %get3A_582, %broadcast_in_dim3A_598 : vector<16xi32>
        tpu.vector_store_idx %arg14[%shift_right_logical3A_599], %broadcast_in_dim3A_1 {add = true} : memref<256xi32, #tpu.memory_space<vmem>>[vector<16xi32>], vector<16xi32>,
      }
      %while3A_246 = arith.constant 1 : i32
      scf.for %while3A_578 = %while3A_244 to %while3A_240 step %while3A_246  : i32 {
        %mul3A_579 = arith.constant 16 : i32
        %mul3A_580 = arith.muli %while3A_578, %mul3A_579 : i32
        %get3A_581 = arith.index_cast %mul3A_580 : i32 to index
        %get3A_582 = tpu.vector_load %arg8[%get3A_581] {strides = array<i32>} : memref<4096xi32, #tpu.memory_space<vmem>>, vector<16xi32>,
        %broadcast_in_dim3A_583 = arith.constant 16 : i32
        %broadcast_in_dim3A_584 = vector.broadcast %broadcast_in_dim3A_583 : i32 to vector<16xi32>
        %shift_right_logical3A = arith.shrui %get3A_582, %broadcast_in_dim3A_584 : vector<16xi32>
        %broadcast_in_dim3A_585 = arith.constant 255 : i32
        %broadcast_in_dim3A_586 = vector.broadcast %broadcast_in_dim3A_585 : i32 to vector<16xi32>
        %and3A_587 = arith.andi %shift_right_logical3A, %broadcast_in_dim3A_586 : vector<16xi32>
        %broadcast_in_dim3A_588 = arith.constant true
        %broadcast_in_dim3A_589 = vector.broadcast %broadcast_in_dim3A_588 : i1 to vector<16xi1>
        %unique3A, %unique3A_590 = tpu.scan_count mask(%broadcast_in_dim3A_589 : vector<16xi1>) value(%and3A_587 : vector<16xi32>) : vector<16xi1>, vector<16xi32>
        %gather3A_591 = tpu.vector_load_idx %arg13[%and3A_587] : memref<256xi32, #tpu.memory_space<vmem>>[vector<16xi32>], vector<16xi32>,
        %add3A_592 = arith.addi %gather3A_591, %unique3A_590 : vector<16xi32>
        %mul3A_593 = arith.constant 16 : i32
        %mul3A_594 = arith.muli %while3A_578, %mul3A_593 : i32
        %get3A_595 = arith.index_cast %mul3A_594 : i32 to index
        %get3A_596 = tpu.vector_load %arg9[%get3A_595] {strides = array<i32>} : memref<4096xi32, #tpu.memory_space<vmem>>, vector<16xi32>,
        tpu.vector_store_idx %arg10[%add3A_592], %get3A_582 : memref<4096xi32, #tpu.memory_space<vmem>>[vector<16xi32>], vector<16xi32>,
        tpu.vector_store_idx %arg11[%add3A_592], %get3A_596 : memref<4096xi32, #tpu.memory_space<vmem>>[vector<16xi32>], vector<16xi32>,
        tpu.vector_store_idx %arg13[%and3A_587], %add3A_592 : memref<256xi32, #tpu.memory_space<vmem>>[vector<16xi32>], vector<16xi32>,
        %broadcast_in_dim3A_597 = arith.constant 24 : i32
        %broadcast_in_dim3A_598 = vector.broadcast %broadcast_in_dim3A_597 : i32 to vector<16xi32>
        %shift_right_logical3A_599 = arith.shrui %get3A_582, %broadcast_in_dim3A_598 : vector<16xi32>
        tpu.vector_store_idx %arg14[%shift_right_logical3A_599], %broadcast_in_dim3A_1 {add = true} : memref<256xi32, #tpu.memory_space<vmem>>[vector<16xi32>], vector<16xi32>,
      }
      %scan3A_247 = arith.constant -1 : i32
      %scan3A_248 = arith.constant 0 : i32
      %scan3A_249 = arith.constant 16 : i32
      %scan3A_250 = arith.addi %scan3A_248, %scan3A_249 : i32
      %scan3A_251 = arith.constant 1 : i32
      %scan3A_252 = scf.for %scan3A_578 = %scan3A_248 to %scan3A_250 step %scan3A_251 iter_args(%scan3A_579 = %scan3A_247) -> (i32)  : i32 {
        %mul3A_580 = arith.constant 16 : i32
        %mul3A_581 = arith.muli %scan3A_578, %mul3A_580 : i32
        %get3A_582 = arith.index_cast %mul3A_581 : i32 to index
        %get3A_583 = tpu.vector_load %arg14[%get3A_582] {strides = array<i32>} : memref<256xi32, #tpu.memory_space<vmem>>, vector<16xi32>,
        %broadcast_in_dim3A_584 = arith.constant true
        %broadcast_in_dim3A_585 = vector.broadcast %broadcast_in_dim3A_584 : i1 to vector<16xi1>
        %masked_cumsum3A = tpu.scan <sum>, %get3A_583 masked %broadcast_in_dim3A_585 : vector<16xi32>, vector<16xi1> -> vector<16xi32>
        %sub3A_586 = arith.subi %masked_cumsum3A, %get3A_583 : vector<16xi32>
        %add3A_587 = vector.broadcast %scan3A_579 : i32 to vector<16xi32>
        %add3A_588 = arith.addi %sub3A_586, %add3A_587 : vector<16xi32>
        %mul3A_589 = arith.constant 16 : i32
        %mul3A_590 = arith.muli %scan3A_578, %mul3A_589 : i32
        %swap3A_591 = arith.index_cast %mul3A_590 : i32 to index
        %swap3A_592 = tpu.vector_load %arg14[%swap3A_591] {strides = array<i32>} : memref<256xi32, #tpu.memory_space<vmem>>, vector<16xi32>,
        tpu.vector_store %arg14[%swap3A_591], %add3A_588 {strides = array<i32>} : memref<256xi32, #tpu.memory_space<vmem>>, vector<16xi32>,
        %slice3A_593 = vector.extract_strided_slice %masked_cumsum3A {offsets = [15], sizes = [1], strides = [1]} : vector<16xi32> to vector<1xi32>
        %squeeze3A_594 = vector.extract %slice3A_593[0] : i32 from vector<1xi32>
        %add3A_595 = arith.addi %scan3A_579, %squeeze3A_594 : i32
        scf.yield %add3A_595 : i32
      }
      %scan3A_253 = arith.constant 16 : i32
      %while3A_254 = arith.constant 0 : i32
      %while3A_255 = arith.constant 0 : i32
      %while3A_256 = arith.subi %select_n3A_95, %while3A_255 : i32
      %while3A_257 = arith.addi %while3A_255, %while3A_256 : i32
      %while3A_258 = arith.constant 1 : i32
      %while3A_259 = arith.divsi %while3A_256, %while3A_258 : i32
      %while3A_260 = arith.muli %while3A_259, %while3A_258 : i32
      %while3A_261 = arith.addi %while3A_255, %while3A_260 : i32
      %while3A_262 = arith.constant 1 : i32
      scf.for %while3A_578 = %while3A_255 to %while3A_261 step %while3A_262  : i32 {
        %mul3A_579 = arith.constant 16 : i32
        %mul3A_580 = arith.muli %while3A_578, %mul3A_579 : i32
        %get3A_581 = arith.index_cast %mul3A_580 : i32 to index
        %get3A_582 = tpu.vector_load %arg10[%get3A_581] {strides = array<i32>} : memref<4096xi32, #tpu.memory_space<vmem>>, vector<16xi32>,
        %broadcast_in_dim3A_583 = arith.constant 24 : i32
        %broadcast_in_dim3A_584 = vector.broadcast %broadcast_in_dim3A_583 : i32 to vector<16xi32>
        %shift_right_logical3A = arith.shrui %get3A_582, %broadcast_in_dim3A_584 : vector<16xi32>
        %broadcast_in_dim3A_585 = arith.constant true
        %broadcast_in_dim3A_586 = vector.broadcast %broadcast_in_dim3A_585 : i1 to vector<16xi1>
        %unique3A, %unique3A_587 = tpu.scan_count mask(%broadcast_in_dim3A_586 : vector<16xi1>) value(%shift_right_logical3A : vector<16xi32>) : vector<16xi1>, vector<16xi32>
        %gather3A_588 = tpu.vector_load_idx %arg14[%shift_right_logical3A] : memref<256xi32, #tpu.memory_space<vmem>>[vector<16xi32>], vector<16xi32>,
        %add3A_589 = arith.addi %gather3A_588, %unique3A_587 : vector<16xi32>
        %mul3A_590 = arith.constant 16 : i32
        %mul3A_591 = arith.muli %while3A_578, %mul3A_590 : i32
        %get3A_592 = arith.index_cast %mul3A_591 : i32 to index
        %get3A_593 = tpu.vector_load %arg11[%get3A_592] {strides = array<i32>} : memref<4096xi32, #tpu.memory_space<vmem>>, vector<16xi32>,
        tpu.vector_store_idx %arg9[%add3A_589], %get3A_593 : memref<4096xi32, #tpu.memory_space<vmem>>[vector<16xi32>], vector<16xi32>,
        tpu.vector_store_idx %arg14[%shift_right_logical3A], %add3A_589 : memref<256xi32, #tpu.memory_space<vmem>>[vector<16xi32>], vector<16xi32>,
      }
      %while3A_263 = arith.constant 1 : i32
      scf.for %while3A_578 = %while3A_261 to %while3A_257 step %while3A_263  : i32 {
        %mul3A_579 = arith.constant 16 : i32
        %mul3A_580 = arith.muli %while3A_578, %mul3A_579 : i32
        %get3A_581 = arith.index_cast %mul3A_580 : i32 to index
        %get3A_582 = tpu.vector_load %arg10[%get3A_581] {strides = array<i32>} : memref<4096xi32, #tpu.memory_space<vmem>>, vector<16xi32>,
        %broadcast_in_dim3A_583 = arith.constant 24 : i32
        %broadcast_in_dim3A_584 = vector.broadcast %broadcast_in_dim3A_583 : i32 to vector<16xi32>
        %shift_right_logical3A = arith.shrui %get3A_582, %broadcast_in_dim3A_584 : vector<16xi32>
        %broadcast_in_dim3A_585 = arith.constant true
        %broadcast_in_dim3A_586 = vector.broadcast %broadcast_in_dim3A_585 : i1 to vector<16xi1>
        %unique3A, %unique3A_587 = tpu.scan_count mask(%broadcast_in_dim3A_586 : vector<16xi1>) value(%shift_right_logical3A : vector<16xi32>) : vector<16xi1>, vector<16xi32>
        %gather3A_588 = tpu.vector_load_idx %arg14[%shift_right_logical3A] : memref<256xi32, #tpu.memory_space<vmem>>[vector<16xi32>], vector<16xi32>,
        %add3A_589 = arith.addi %gather3A_588, %unique3A_587 : vector<16xi32>
        %mul3A_590 = arith.constant 16 : i32
        %mul3A_591 = arith.muli %while3A_578, %mul3A_590 : i32
        %get3A_592 = arith.index_cast %mul3A_591 : i32 to index
        %get3A_593 = tpu.vector_load %arg11[%get3A_592] {strides = array<i32>} : memref<4096xi32, #tpu.memory_space<vmem>>, vector<16xi32>,
        tpu.vector_store_idx %arg9[%add3A_589], %get3A_593 : memref<4096xi32, #tpu.memory_space<vmem>>[vector<16xi32>], vector<16xi32>,
        tpu.vector_store_idx %arg14[%shift_right_logical3A], %add3A_589 : memref<256xi32, #tpu.memory_space<vmem>>[vector<16xi32>], vector<16xi32>,
      }
      %min3A_264 = arith.constant 128 : i32
      %min3A_265 = arith.minsi %select_n3A_95, %min3A_264 : i32
      %while3A_266 = arith.constant 0 : i32
      %while3A_267 = arith.constant 128 : i32
      %while3A_268 = arith.subi %while3A_267, %min3A_265 : i32
      %while3A_269 = arith.addi %min3A_265, %while3A_268 : i32
      %while3A_270 = arith.constant 1 : i32
      %while3A_271 = arith.divsi %while3A_268, %while3A_270 : i32
      %while3A_272 = arith.muli %while3A_271, %while3A_270 : i32
      %while3A_273 = arith.addi %min3A_265, %while3A_272 : i32
      %while3A_274 = arith.constant 1 : i32
      scf.for %while3A_578 = %min3A_265 to %while3A_273 step %while3A_274  : i32 {
        %mul3A_579 = arith.constant 16 : i32
        %mul3A_580 = arith.muli %while3A_578, %mul3A_579 : i32
        %add3A_581 = vector.broadcast %mul3A_580 : i32 to vector<16xi32>
        %add3A_582 = arith.addi %iota3A, %add3A_581 : vector<16xi32>
        %mul3A_583 = arith.constant 16 : i32
        %mul3A_584 = arith.muli %while3A_578, %mul3A_583 : i32
        %swap3A_585 = arith.index_cast %mul3A_584 : i32 to index
        %swap3A_586 = tpu.vector_load %arg9[%swap3A_585] {strides = array<i32>} : memref<4096xi32, #tpu.memory_space<vmem>>, vector<16xi32>,
        tpu.vector_store %arg9[%swap3A_585], %add3A_582 {strides = array<i32>} : memref<4096xi32, #tpu.memory_space<vmem>>, vector<16xi32>,
      }
      %while3A_275 = arith.constant 1 : i32
      scf.for %while3A_578 = %while3A_273 to %while3A_269 step %while3A_275  : i32 {
        %mul3A_579 = arith.constant 16 : i32
        %mul3A_580 = arith.muli %while3A_578, %mul3A_579 : i32
        %add3A_581 = vector.broadcast %mul3A_580 : i32 to vector<16xi32>
        %add3A_582 = arith.addi %iota3A, %add3A_581 : vector<16xi32>
        %mul3A_583 = arith.constant 16 : i32
        %mul3A_584 = arith.muli %while3A_578, %mul3A_583 : i32
        %swap3A_585 = arith.index_cast %mul3A_584 : i32 to index
        %swap3A_586 = tpu.vector_load %arg9[%swap3A_585] {strides = array<i32>} : memref<4096xi32, #tpu.memory_space<vmem>>, vector<16xi32>,
        tpu.vector_store %arg9[%swap3A_585], %add3A_582 {strides = array<i32>} : memref<4096xi32, #tpu.memory_space<vmem>>, vector<16xi32>,
      }
      %mul3A_276 = arith.constant 16 : i32
      %mul3A_277 = arith.muli %select_n3A_95, %mul3A_276 : i32
      %ge3A_278 = arith.constant 2048 : i32
      %ge3A_279 = arith.cmpi sge, %mul3A_277, %ge3A_278 : i32
      %get3A_280 = arith.constant 2032 : index
      %get3A_281 = tpu.vector_load %arg9[%get3A_280] {strides = array<i32>} : memref<4096xi32, #tpu.memory_space<vmem>>, vector<16xi32>,
      %slice3A = vector.extract_strided_slice %get3A_281 {offsets = [15], sizes = [1], strides = [1]} : vector<16xi32> to vector<1xi32>
      %squeeze3A = vector.extract %slice3A[0] : i32 from vector<1xi32>
      %jit3A_282 = arith.constant 2047 : i32
      %select_n3A_283 = arith.select %ge3A_279, %squeeze3A, %jit3A_282 : i32
      %broadcast_in_dim3A_284 = vector.broadcast %select_n3A_283 : i32 to vector<16xi32>
      %gather3A = tpu.vector_load_idx %arg12[%broadcast_in_dim3A_284] : memref<4096xi32, #tpu.memory_space<vmem>>[vector<16xi32>], vector<16xi32>,
      %slice3A_285 = vector.extract_strided_slice %gather3A {offsets = [15], sizes = [1], strides = [1]} : vector<16xi32> to vector<1xi32>
      %squeeze3A_286 = vector.extract %slice3A_285[0] : i32 from vector<1xi32>
      %jit3A_287 = arith.constant -1 : i32
      %select_n3A_288 = arith.select %ge3A_279, %squeeze3A_286, %jit3A_287 : i32
      %xor3A_289 = arith.constant 2147483647 : i32
      %xor3A_290 = arith.xori %select_n3A_288, %xor3A_289 : i32
      %lt3A_291 = arith.constant 128 : i32
      %lt3A_292 = arith.cmpi slt, %mul3A_60, %lt3A_291 : i32
      %sub3A_293 = arith.constant 383 : i32
      %sub3A_294 = arith.subi %sub3A_293, %mul3A_60 : i32
      %select_n3A_295 = arith.select %lt3A_292, %mul3A_60, %sub3A_294 : i32
      %broadcast_in_dim3A_296 = vector.broadcast %select_n3A_295 : i32 to vector<16xi32>
      %broadcast_in_dim3A_297 = vector.broadcast %xor3A_290 : i32 to vector<16xi32>
      tpu.vector_store_idx %arg15[%broadcast_in_dim3A_296], %broadcast_in_dim3A_297 : memref<256xi32, #tpu.memory_space<vmem>>[vector<16xi32>], vector<16xi32>,
      %broadcast_in_dim3A_298 = vector.broadcast %select_n3A_283 : i32 to vector<16xi32>
      tpu.vector_store_idx %arg16[%broadcast_in_dim3A_296], %broadcast_in_dim3A_298 : memref<256xi32, #tpu.memory_space<vmem>>[vector<16xi32>], vector<16xi32>,
      %dma_start3A_299 = arith.constant 0 : i32
      %dma_start3A_300 = tpu.memref_slice %arg9[%dma_start3A_299] : memref<4096xi32, #tpu.memory_space<vmem>> -> memref<2048xi32, #tpu.memory_space<vmem>>
      %dma_start3A_301 = arith.constant 0 : i32
      %dma_start3A_302 = tpu.memref_slice %arg3[%select_n3A_73, %dma_start3A_301] : memref<8192x2048xi32, #tpu.memory_space<hbm>> -> memref<1x2048xi32, #tpu.memory_space<hbm>>
      %dma_start3A_303 = tpu.memref_squeeze %dma_start3A_302 : memref<1x2048xi32, #tpu.memory_space<hbm>> -> memref<2048xi32, #tpu.memory_space<hbm>>
      %dma_start3A_304 = arith.constant 0 : i32
      %dma_start3A_305 = tpu.memref_slice %arg3[%select_n3A_73, %dma_start3A_304] : memref<8192x2048xi32, #tpu.memory_space<hbm>> -> memref<1x2048xi32, #tpu.memory_space<hbm>>
      %dma_start3A_306 = tpu.memref_squeeze %dma_start3A_305 : memref<1x2048xi32, #tpu.memory_space<hbm>> -> memref<2048xi32, #tpu.memory_space<hbm>>
      %dma_start3A_307 = arith.constant 0 : i32
      %dma_start3A_308 = tpu.memref_slice %arg9[%dma_start3A_307] : memref<4096xi32, #tpu.memory_space<vmem>> -> memref<2048xi32, #tpu.memory_space<vmem>>
      tpu.enqueue_dma source(%dma_start3A_308 : memref<2048xi32, #tpu.memory_space<vmem>>) target(%dma_start3A_306 : memref<2048xi32, #tpu.memory_space<hbm>>) target_semaphore(%arg19 : memref<!tpu.dma_semaphore, #tpu.memory_space<semaphore_mem>>)
      %mul3A_309 = arith.constant 2 : i32
      %mul3A_310 = arith.muli %mul3A_309, %scan3A_58 : i32
      %add3A_311 = arith.constant 1 : i32
      %add3A_312 = arith.addi %mul3A_310, %add3A_311 : i32
      %mul3A_313 = arith.constant 128 : i32
      %mul3A_314 = arith.muli %add3A, %mul3A_313 : i32
      %add3A_315 = arith.addi %mul3A_314, %add3A_312 : i32
      %mul3A_316 = arith.constant 128 : i32
      %mul3A_317 = arith.muli %add3A, %mul3A_316 : i32
      %sub3A_318 = arith.constant 8191 : i32
      %sub3A_319 = arith.subi %sub3A_318, %mul3A_317 : i32
      %sub3A_320 = arith.constant 128 : i32
      %sub3A_321 = arith.subi %add3A_312, %sub3A_320 : i32
      %sub3A_322 = arith.subi %sub3A_319, %sub3A_321 : i32
      %lt3A_323 = arith.constant 128 : i32
      %lt3A_324 = arith.cmpi slt, %add3A_312, %lt3A_323 : i32
      %select_n3A_325 = arith.select %lt3A_324, %add3A_315, %sub3A_322 : i32
      %rem3A_326 = arith.constant 4096 : i32
      %rem3A_327 = arith.remsi %select_n3A_325, %rem3A_326 : i32
      %add3A_328 = arith.constant 16 : i32
      %add3A_329 = arith.addi %rem3A_327, %add3A_328 : i32
      %jit3A_330 = arith.constant 16 : i32
      %div3A_331 = arith.divsi %add3A_329, %jit3A_330 : i32
      %sign3A_332 = arith.constant 0 : i32
      %sign3A_333 = arith.cmpi sgt, %add3A_329, %sign3A_332 : i32
      %sign3A_334 = arith.extui %sign3A_333 : i1 to i32
      %sign3A_335 = arith.constant 0 : i32
      %sign3A_336 = arith.cmpi slt, %add3A_329, %sign3A_335 : i32
      %sign3A_337 = arith.extui %sign3A_336 : i1 to i32
      %sign3A_338 = arith.subi %sign3A_334, %sign3A_337 : i32
      %sign3A_339 = arith.constant 0 : i32
      %sign3A_340 = arith.cmpi sgt, %jit3A_330, %sign3A_339 : i32
      %sign3A_341 = arith.extui %sign3A_340 : i1 to i32
      %sign3A_342 = arith.constant 0 : i32
      %sign3A_343 = arith.cmpi slt, %jit3A_330, %sign3A_342 : i32
      %sign3A_344 = arith.extui %sign3A_343 : i1 to i32
      %sign3A_345 = arith.subi %sign3A_341, %sign3A_344 : i32
      %ne3A_346 = arith.cmpi ne, %sign3A_338, %sign3A_345 : i32
      %rem3A_347 = arith.remsi %add3A_329, %jit3A_330 : i32
      %ne3A_348 = arith.constant 0 : i32
      %ne3A_349 = arith.cmpi ne, %rem3A_347, %ne3A_348 : i32
      %and3A_350 = arith.andi %ne3A_346, %ne3A_349 : i1
      %sub3A_351 = arith.constant 1 : i32
      %sub3A_352 = arith.subi %div3A_331, %sub3A_351 : i32
      %select_n3A_353 = arith.select %and3A_350, %sub3A_352, %div3A_331 : i32
      %add3A_354 = arith.constant 1 : i32
      %add3A_355 = arith.addi %add3A_312, %add3A_354 : i32
      %min3A_356 = arith.constant 255 : i32
      %min3A_357 = arith.minsi %add3A_355, %min3A_356 : i32
      %mul3A_358 = arith.constant 128 : i32
      %mul3A_359 = arith.muli %add3A, %mul3A_358 : i32
      %add3A_360 = arith.addi %mul3A_359, %min3A_357 : i32
      %mul3A_361 = arith.constant 128 : i32
      %mul3A_362 = arith.muli %add3A, %mul3A_361 : i32
      %sub3A_363 = arith.constant 8191 : i32
      %sub3A_364 = arith.subi %sub3A_363, %mul3A_362 : i32
      %sub3A_365 = arith.constant 128 : i32
      %sub3A_366 = arith.subi %min3A_357, %sub3A_365 : i32
      %sub3A_367 = arith.subi %sub3A_364, %sub3A_366 : i32
      %lt3A_368 = arith.constant 128 : i32
      %lt3A_369 = arith.cmpi slt, %min3A_357, %lt3A_368 : i32
      %select_n3A_370 = arith.select %lt3A_369, %add3A_360, %sub3A_367 : i32
      %dma_start3A_371 = arith.constant 0 : i32
      %dma_start3A_372 = tpu.memref_slice %arg2[%select_n3A_370, %dma_start3A_371] : memref<8192x4096xf32, #tpu.memory_space<hbm>> -> memref<1x4096xf32, #tpu.memory_space<hbm>>
      %dma_start3A_373 = tpu.memref_squeeze %dma_start3A_372 : memref<1x4096xf32, #tpu.memory_space<hbm>> -> memref<4096xf32, #tpu.memory_space<hbm>>
      %dma_start3A_374 = arith.constant 0 : i32
      %dma_start3A_375 = tpu.memref_slice %arg2[%select_n3A_370, %dma_start3A_374] : memref<8192x4096xf32, #tpu.memory_space<hbm>> -> memref<1x4096xf32, #tpu.memory_space<hbm>>
      %dma_start3A_376 = tpu.memref_squeeze %dma_start3A_375 : memref<1x4096xf32, #tpu.memory_space<hbm>> -> memref<4096xf32, #tpu.memory_space<hbm>>
      tpu.enqueue_dma source(%dma_start3A_376 : memref<4096xf32, #tpu.memory_space<hbm>>) target(%arg6 : memref<4096xf32, #tpu.memory_space<vmem>>) target_semaphore(%arg17 : memref<!tpu.dma_semaphore, #tpu.memory_space<semaphore_mem>>)
      %dma_wait3A_377 = arith.constant 0 : i32
      %dma_wait3A_378 = tpu.memref_slice %arg2[%select_n3A_325, %dma_wait3A_377] : memref<8192x4096xf32, #tpu.memory_space<hbm>> -> memref<1x4096xf32, #tpu.memory_space<hbm>>
      %dma_wait3A_379 = tpu.memref_squeeze %dma_wait3A_378 : memref<1x4096xf32, #tpu.memory_space<hbm>> -> memref<4096xf32, #tpu.memory_space<hbm>>
      %dma_wait3A_380 = arith.constant 0 : i32
      %dma_wait3A_381 = tpu.memref_slice %arg2[%select_n3A_325, %dma_wait3A_380] : memref<8192x4096xf32, #tpu.memory_space<hbm>> -> memref<1x4096xf32, #tpu.memory_space<hbm>>
      %dma_wait3A_382 = tpu.memref_squeeze %dma_wait3A_381 : memref<1x4096xf32, #tpu.memory_space<hbm>> -> memref<4096xf32, #tpu.memory_space<hbm>>
      tpu.wait_dma2 semaphore(%arg18 : memref<!tpu.dma_semaphore, #tpu.memory_space<semaphore_mem>>) src(%dma_wait3A_382 : memref<4096xf32, #tpu.memory_space<hbm>>) dst(%arg7 : memref<4096xf32, #tpu.memory_space<vmem>>)
      %scan3A_383 = arith.constant 0 : i32
      %scan3A_384 = arith.constant 0 : i32
      %scan3A_385 = arith.constant 16 : i32
      %scan3A_386 = arith.addi %scan3A_384, %scan3A_385 : i32
      %scan3A_387 = arith.constant 1 : i32
      scf.for %scan3A_578 = %scan3A_384 to %scan3A_386 step %scan3A_387  : i32 {
        %broadcast_in_dim3A_579 = arith.constant 0 : i32
        %broadcast_in_dim3A_580 = vector.broadcast %broadcast_in_dim3A_579 : i32 to vector<16xi32>
        %mul3A_581 = arith.constant 16 : i32
        %mul3A_582 = arith.muli %scan3A_578, %mul3A_581 : i32
        %swap3A_583 = arith.index_cast %mul3A_582 : i32 to index
        %swap3A_584 = tpu.vector_load %arg13[%swap3A_583] {strides = array<i32>} : memref<256xi32, #tpu.memory_space<vmem>>, vector<16xi32>,
        tpu.vector_store %arg13[%swap3A_583], %broadcast_in_dim3A_580 {strides = array<i32>} : memref<256xi32, #tpu.memory_space<vmem>>, vector<16xi32>,
      }
      %scan3A_388 = arith.constant 16 : i32
      %sub3A_389 = arith.constant 1 : i32
      %sub3A_390 = arith.subi %select_n3A_353, %sub3A_389 : i32
      %while3A_391 = arith.constant 0 : i32
      %while3A_392 = arith.constant 0 : i32
      %while3A_393 = arith.subi %sub3A_390, %while3A_392 : i32
      %while3A_394 = arith.addi %while3A_392, %while3A_393 : i32
      %while3A_395 = arith.constant 1 : i32
      %while3A_396 = arith.divsi %while3A_393, %while3A_395 : i32
      %while3A_397 = arith.muli %while3A_396, %while3A_395 : i32
      %while3A_398 = arith.addi %while3A_392, %while3A_397 : i32
      %while3A_399 = arith.constant 1 : i32
      scf.for %while3A_578 = %while3A_392 to %while3A_398 step %while3A_399  : i32 {
        %mul3A_579 = arith.constant 16 : i32
        %mul3A_580 = arith.muli %while3A_578, %mul3A_579 : i32
        %get3A_581 = arith.index_cast %mul3A_580 : i32 to index
        %get3A_582 = tpu.vector_load %arg7[%get3A_581] {strides = array<i32>} : memref<4096xf32, #tpu.memory_space<vmem>>, vector<16xf32>,
        %bitcast3A_583 = vector.bitcast %get3A_582 : vector<16xf32> to vector<16xi32>
        %ge3A_584 = arith.constant 0 : i32
        %ge3A_585 = vector.broadcast %ge3A_584 : i32 to vector<16xi32>
        %ge3A_586 = arith.cmpi sge, %bitcast3A_583, %ge3A_585 : vector<16xi32>
        %sub3A_587 = arith.constant -2147483648 : i32
        %sub3A_588 = vector.broadcast %sub3A_587 : i32 to vector<16xi32>
        %sub3A_589 = arith.subi %sub3A_588, %bitcast3A_583 : vector<16xi32>
        %select_n3A_590 = arith.select %ge3A_586, %bitcast3A_583, %sub3A_589 : vector<16xi1>, vector<16xi32>
        %broadcast_in_dim3A_591 = arith.constant 2147483647 : i32
        %broadcast_in_dim3A_592 = vector.broadcast %broadcast_in_dim3A_591 : i32 to vector<16xi32>
        %xor3A_593 = arith.xori %select_n3A_590, %broadcast_in_dim3A_592 : vector<16xi32>
        %mul3A_594 = arith.constant 16 : i32
        %mul3A_595 = arith.muli %while3A_578, %mul3A_594 : i32
        %swap3A_596 = arith.index_cast %mul3A_595 : i32 to index
        %swap3A_597 = tpu.vector_load %arg12[%swap3A_596] {strides = array<i32>} : memref<4096xi32, #tpu.memory_space<vmem>>, vector<16xi32>,
        tpu.vector_store %arg12[%swap3A_596], %xor3A_593 {strides = array<i32>} : memref<4096xi32, #tpu.memory_space<vmem>>, vector<16xi32>,
        %broadcast_in_dim3A_598 = arith.constant 255 : i32
        %broadcast_in_dim3A_599 = vector.broadcast %broadcast_in_dim3A_598 : i32 to vector<16xi32>
        %and3A_600 = arith.andi %xor3A_593, %broadcast_in_dim3A_599 : vector<16xi32>
        tpu.vector_store_idx %arg13[%and3A_600], %broadcast_in_dim3A_1 {add = true} : memref<256xi32, #tpu.memory_space<vmem>>[vector<16xi32>], vector<16xi32>,
      }
      %while3A_400 = arith.constant 1 : i32
      scf.for %while3A_578 = %while3A_398 to %while3A_394 step %while3A_400  : i32 {
        %mul3A_579 = arith.constant 16 : i32
        %mul3A_580 = arith.muli %while3A_578, %mul3A_579 : i32
        %get3A_581 = arith.index_cast %mul3A_580 : i32 to index
        %get3A_582 = tpu.vector_load %arg7[%get3A_581] {strides = array<i32>} : memref<4096xf32, #tpu.memory_space<vmem>>, vector<16xf32>,
        %bitcast3A_583 = vector.bitcast %get3A_582 : vector<16xf32> to vector<16xi32>
        %ge3A_584 = arith.constant 0 : i32
        %ge3A_585 = vector.broadcast %ge3A_584 : i32 to vector<16xi32>
        %ge3A_586 = arith.cmpi sge, %bitcast3A_583, %ge3A_585 : vector<16xi32>
        %sub3A_587 = arith.constant -2147483648 : i32
        %sub3A_588 = vector.broadcast %sub3A_587 : i32 to vector<16xi32>
        %sub3A_589 = arith.subi %sub3A_588, %bitcast3A_583 : vector<16xi32>
        %select_n3A_590 = arith.select %ge3A_586, %bitcast3A_583, %sub3A_589 : vector<16xi1>, vector<16xi32>
        %broadcast_in_dim3A_591 = arith.constant 2147483647 : i32
        %broadcast_in_dim3A_592 = vector.broadcast %broadcast_in_dim3A_591 : i32 to vector<16xi32>
        %xor3A_593 = arith.xori %select_n3A_590, %broadcast_in_dim3A_592 : vector<16xi32>
        %mul3A_594 = arith.constant 16 : i32
        %mul3A_595 = arith.muli %while3A_578, %mul3A_594 : i32
        %swap3A_596 = arith.index_cast %mul3A_595 : i32 to index
        %swap3A_597 = tpu.vector_load %arg12[%swap3A_596] {strides = array<i32>} : memref<4096xi32, #tpu.memory_space<vmem>>, vector<16xi32>,
        tpu.vector_store %arg12[%swap3A_596], %xor3A_593 {strides = array<i32>} : memref<4096xi32, #tpu.memory_space<vmem>>, vector<16xi32>,
        %broadcast_in_dim3A_598 = arith.constant 255 : i32
        %broadcast_in_dim3A_599 = vector.broadcast %broadcast_in_dim3A_598 : i32 to vector<16xi32>
        %and3A_600 = arith.andi %xor3A_593, %broadcast_in_dim3A_599 : vector<16xi32>
        tpu.vector_store_idx %arg13[%and3A_600], %broadcast_in_dim3A_1 {add = true} : memref<256xi32, #tpu.memory_space<vmem>>[vector<16xi32>], vector<16xi32>,
      }
      %sub3A_401 = arith.constant 1 : i32
      %sub3A_402 = arith.subi %select_n3A_353, %sub3A_401 : i32
      %mul3A_403 = arith.constant 16 : i32
      %mul3A_404 = arith.muli %sub3A_402, %mul3A_403 : i32
      %add3A_405 = vector.broadcast %mul3A_404 : i32 to vector<16xi32>
      %add3A_406 = arith.addi %iota3A, %add3A_405 : vector<16xi32>
      %le3A_407 = vector.broadcast %rem3A_327 : i32 to vector<16xi32>
      %le3A_408 = arith.cmpi sle, %add3A_406, %le3A_407 : vector<16xi32>
      %mul3A_409 = arith.constant 16 : i32
      %mul3A_410 = arith.muli %sub3A_402, %mul3A_409 : i32
      %get3A_411 = arith.index_cast %mul3A_410 : i32 to index
      %get3A_412 = tpu.vector_load %arg7[%get3A_411] {strides = array<i32>} : memref<4096xf32, #tpu.memory_space<vmem>>, vector<16xf32>,
      %bitcast3A_413 = vector.bitcast %get3A_412 : vector<16xf32> to vector<16xi32>
      %ge3A_414 = arith.constant 0 : i32
      %ge3A_415 = vector.broadcast %ge3A_414 : i32 to vector<16xi32>
      %ge3A_416 = arith.cmpi sge, %bitcast3A_413, %ge3A_415 : vector<16xi32>
      %sub3A_417 = arith.constant -2147483648 : i32
      %sub3A_418 = vector.broadcast %sub3A_417 : i32 to vector<16xi32>
      %sub3A_419 = arith.subi %sub3A_418, %bitcast3A_413 : vector<16xi32>
      %select_n3A_420 = arith.select %ge3A_416, %bitcast3A_413, %sub3A_419 : vector<16xi1>, vector<16xi32>
      %broadcast_in_dim3A_421 = arith.constant 2147483647 : i32
      %broadcast_in_dim3A_422 = vector.broadcast %broadcast_in_dim3A_421 : i32 to vector<16xi32>
      %xor3A_423 = arith.xori %select_n3A_420, %broadcast_in_dim3A_422 : vector<16xi32>
      %broadcast_in_dim3A_424 = arith.constant -1 : i32
      %broadcast_in_dim3A_425 = vector.broadcast %broadcast_in_dim3A_424 : i32 to vector<16xi32>
      %select_n3A_426 = arith.select %le3A_408, %xor3A_423, %broadcast_in_dim3A_425 : vector<16xi1>, vector<16xi32>
      %mul3A_427 = arith.constant 16 : i32
      %mul3A_428 = arith.muli %sub3A_402, %mul3A_427 : i32
      %swap3A_429 = arith.index_cast %mul3A_428 : i32 to index
      %swap3A_430 = tpu.vector_load %arg12[%swap3A_429] {strides = array<i32>} : memref<4096xi32, #tpu.memory_space<vmem>>, vector<16xi32>,
      tpu.vector_store %arg12[%swap3A_429], %select_n3A_426 {strides = array<i32>} : memref<4096xi32, #tpu.memory_space<vmem>>, vector<16xi32>,
      %broadcast_in_dim3A_431 = arith.constant 255 : i32
      %broadcast_in_dim3A_432 = vector.broadcast %broadcast_in_dim3A_431 : i32 to vector<16xi32>
      %and3A_433 = arith.andi %select_n3A_426, %broadcast_in_dim3A_432 : vector<16xi32>
      tpu.vector_store_idx %arg13[%and3A_433], %broadcast_in_dim3A_1 {add = true} : memref<256xi32, #tpu.memory_space<vmem>>[vector<16xi32>], vector<16xi32>,
      %scan3A_434 = arith.constant -1 : i32
      %scan3A_435 = arith.constant 0 : i32
      %scan3A_436 = arith.constant 16 : i32
      %scan3A_437 = arith.addi %scan3A_435, %scan3A_436 : i32
      %scan3A_438 = arith.constant 1 : i32
      %scan3A_439 = scf.for %scan3A_578 = %scan3A_435 to %scan3A_437 step %scan3A_438 iter_args(%scan3A_579 = %scan3A_434) -> (i32)  : i32 {
        %mul3A_580 = arith.constant 16 : i32
        %mul3A_581 = arith.muli %scan3A_578, %mul3A_580 : i32
        %get3A_582 = arith.index_cast %mul3A_581 : i32 to index
        %get3A_583 = tpu.vector_load %arg13[%get3A_582] {strides = array<i32>} : memref<256xi32, #tpu.memory_space<vmem>>, vector<16xi32>,
        %broadcast_in_dim3A_584 = arith.constant true
        %broadcast_in_dim3A_585 = vector.broadcast %broadcast_in_dim3A_584 : i1 to vector<16xi1>
        %masked_cumsum3A = tpu.scan <sum>, %get3A_583 masked %broadcast_in_dim3A_585 : vector<16xi32>, vector<16xi1> -> vector<16xi32>
        %sub3A_586 = arith.subi %masked_cumsum3A, %get3A_583 : vector<16xi32>
        %add3A_587 = vector.broadcast %scan3A_579 : i32 to vector<16xi32>
        %add3A_588 = arith.addi %sub3A_586, %add3A_587 : vector<16xi32>
        %mul3A_589 = arith.constant 16 : i32
        %mul3A_590 = arith.muli %scan3A_578, %mul3A_589 : i32
        %swap3A_591 = arith.index_cast %mul3A_590 : i32 to index
        %swap3A_592 = tpu.vector_load %arg13[%swap3A_591] {strides = array<i32>} : memref<256xi32, #tpu.memory_space<vmem>>, vector<16xi32>,
        tpu.vector_store %arg13[%swap3A_591], %add3A_588 {strides = array<i32>} : memref<256xi32, #tpu.memory_space<vmem>>, vector<16xi32>,
        %slice3A_593 = vector.extract_strided_slice %masked_cumsum3A {offsets = [15], sizes = [1], strides = [1]} : vector<16xi32> to vector<1xi32>
        %squeeze3A_594 = vector.extract %slice3A_593[0] : i32 from vector<1xi32>
        %add3A_595 = arith.addi %scan3A_579, %squeeze3A_594 : i32
        scf.yield %add3A_595 : i32
      }
      %scan3A_440 = arith.constant 16 : i32
      %scan3A_441 = arith.constant 0 : i32
      %scan3A_442 = arith.constant 0 : i32
      %scan3A_443 = arith.constant 16 : i32
      %scan3A_444 = arith.addi %scan3A_442, %scan3A_443 : i32
      %scan3A_445 = arith.constant 1 : i32
      scf.for %scan3A_578 = %scan3A_442 to %scan3A_444 step %scan3A_445  : i32 {
        %broadcast_in_dim3A_579 = arith.constant 0 : i32
        %broadcast_in_dim3A_580 = vector.broadcast %broadcast_in_dim3A_579 : i32 to vector<16xi32>
        %mul3A_581 = arith.constant 16 : i32
        %mul3A_582 = arith.muli %scan3A_578, %mul3A_581 : i32
        %swap3A_583 = arith.index_cast %mul3A_582 : i32 to index
        %swap3A_584 = tpu.vector_load %arg14[%swap3A_583] {strides = array<i32>} : memref<256xi32, #tpu.memory_space<vmem>>, vector<16xi32>,
        tpu.vector_store %arg14[%swap3A_583], %broadcast_in_dim3A_580 {strides = array<i32>} : memref<256xi32, #tpu.memory_space<vmem>>, vector<16xi32>,
      }
      %scan3A_446 = arith.constant 16 : i32
      %while3A_447 = arith.constant 0 : i32
      %while3A_448 = arith.constant 0 : i32
      %while3A_449 = arith.subi %select_n3A_353, %while3A_448 : i32
      %while3A_450 = arith.addi %while3A_448, %while3A_449 : i32
      %while3A_451 = arith.constant 1 : i32
      %while3A_452 = arith.divsi %while3A_449, %while3A_451 : i32
      %while3A_453 = arith.muli %while3A_452, %while3A_451 : i32
      %while3A_454 = arith.addi %while3A_448, %while3A_453 : i32
      %while3A_455 = arith.constant 1 : i32
      scf.for %while3A_578 = %while3A_448 to %while3A_454 step %while3A_455  : i32 {
        %mul3A_579 = arith.constant 16 : i32
        %mul3A_580 = arith.muli %while3A_578, %mul3A_579 : i32
        %get3A_581 = arith.index_cast %mul3A_580 : i32 to index
        %get3A_582 = tpu.vector_load %arg12[%get3A_581] {strides = array<i32>} : memref<4096xi32, #tpu.memory_space<vmem>>, vector<16xi32>,
        %broadcast_in_dim3A_583 = arith.constant 255 : i32
        %broadcast_in_dim3A_584 = vector.broadcast %broadcast_in_dim3A_583 : i32 to vector<16xi32>
        %and3A_585 = arith.andi %get3A_582, %broadcast_in_dim3A_584 : vector<16xi32>
        %broadcast_in_dim3A_586 = arith.constant true
        %broadcast_in_dim3A_587 = vector.broadcast %broadcast_in_dim3A_586 : i1 to vector<16xi1>
        %unique3A, %unique3A_588 = tpu.scan_count mask(%broadcast_in_dim3A_587 : vector<16xi1>) value(%and3A_585 : vector<16xi32>) : vector<16xi1>, vector<16xi32>
        %gather3A_589 = tpu.vector_load_idx %arg13[%and3A_585] : memref<256xi32, #tpu.memory_space<vmem>>[vector<16xi32>], vector<16xi32>,
        %add3A_590 = arith.addi %gather3A_589, %unique3A_588 : vector<16xi32>
        %mul3A_591 = arith.constant 16 : i32
        %mul3A_592 = arith.muli %while3A_578, %mul3A_591 : i32
        %add3A_593 = vector.broadcast %mul3A_592 : i32 to vector<16xi32>
        %add3A_594 = arith.addi %iota3A, %add3A_593 : vector<16xi32>
        tpu.vector_store_idx %arg10[%add3A_590], %get3A_582 : memref<4096xi32, #tpu.memory_space<vmem>>[vector<16xi32>], vector<16xi32>,
        tpu.vector_store_idx %arg11[%add3A_590], %add3A_594 : memref<4096xi32, #tpu.memory_space<vmem>>[vector<16xi32>], vector<16xi32>,
        tpu.vector_store_idx %arg13[%and3A_585], %add3A_590 : memref<256xi32, #tpu.memory_space<vmem>>[vector<16xi32>], vector<16xi32>,
        %broadcast_in_dim3A_595 = arith.constant 8 : i32
        %broadcast_in_dim3A_596 = vector.broadcast %broadcast_in_dim3A_595 : i32 to vector<16xi32>
        %shift_right_logical3A = arith.shrui %get3A_582, %broadcast_in_dim3A_596 : vector<16xi32>
        %broadcast_in_dim3A_597 = arith.constant 255 : i32
        %broadcast_in_dim3A_598 = vector.broadcast %broadcast_in_dim3A_597 : i32 to vector<16xi32>
        %and3A_599 = arith.andi %shift_right_logical3A, %broadcast_in_dim3A_598 : vector<16xi32>
        tpu.vector_store_idx %arg14[%and3A_599], %broadcast_in_dim3A_1 {add = true} : memref<256xi32, #tpu.memory_space<vmem>>[vector<16xi32>], vector<16xi32>,
      }
      %while3A_456 = arith.constant 1 : i32
      scf.for %while3A_578 = %while3A_454 to %while3A_450 step %while3A_456  : i32 {
        %mul3A_579 = arith.constant 16 : i32
        %mul3A_580 = arith.muli %while3A_578, %mul3A_579 : i32
        %get3A_581 = arith.index_cast %mul3A_580 : i32 to index
        %get3A_582 = tpu.vector_load %arg12[%get3A_581] {strides = array<i32>} : memref<4096xi32, #tpu.memory_space<vmem>>, vector<16xi32>,
        %broadcast_in_dim3A_583 = arith.constant 255 : i32
        %broadcast_in_dim3A_584 = vector.broadcast %broadcast_in_dim3A_583 : i32 to vector<16xi32>
        %and3A_585 = arith.andi %get3A_582, %broadcast_in_dim3A_584 : vector<16xi32>
        %broadcast_in_dim3A_586 = arith.constant true
        %broadcast_in_dim3A_587 = vector.broadcast %broadcast_in_dim3A_586 : i1 to vector<16xi1>
        %unique3A, %unique3A_588 = tpu.scan_count mask(%broadcast_in_dim3A_587 : vector<16xi1>) value(%and3A_585 : vector<16xi32>) : vector<16xi1>, vector<16xi32>
        %gather3A_589 = tpu.vector_load_idx %arg13[%and3A_585] : memref<256xi32, #tpu.memory_space<vmem>>[vector<16xi32>], vector<16xi32>,
        %add3A_590 = arith.addi %gather3A_589, %unique3A_588 : vector<16xi32>
        %mul3A_591 = arith.constant 16 : i32
        %mul3A_592 = arith.muli %while3A_578, %mul3A_591 : i32
        %add3A_593 = vector.broadcast %mul3A_592 : i32 to vector<16xi32>
        %add3A_594 = arith.addi %iota3A, %add3A_593 : vector<16xi32>
        tpu.vector_store_idx %arg10[%add3A_590], %get3A_582 : memref<4096xi32, #tpu.memory_space<vmem>>[vector<16xi32>], vector<16xi32>,
        tpu.vector_store_idx %arg11[%add3A_590], %add3A_594 : memref<4096xi32, #tpu.memory_space<vmem>>[vector<16xi32>], vector<16xi32>,
        tpu.vector_store_idx %arg13[%and3A_585], %add3A_590 : memref<256xi32, #tpu.memory_space<vmem>>[vector<16xi32>], vector<16xi32>,
        %broadcast_in_dim3A_595 = arith.constant 8 : i32
        %broadcast_in_dim3A_596 = vector.broadcast %broadcast_in_dim3A_595 : i32 to vector<16xi32>
        %shift_right_logical3A = arith.shrui %get3A_582, %broadcast_in_dim3A_596 : vector<16xi32>
        %broadcast_in_dim3A_597 = arith.constant 255 : i32
        %broadcast_in_dim3A_598 = vector.broadcast %broadcast_in_dim3A_597 : i32 to vector<16xi32>
        %and3A_599 = arith.andi %shift_right_logical3A, %broadcast_in_dim3A_598 : vector<16xi32>
        tpu.vector_store_idx %arg14[%and3A_599], %broadcast_in_dim3A_1 {add = true} : memref<256xi32, #tpu.memory_space<vmem>>[vector<16xi32>], vector<16xi32>,
      }
      %dma_wait3A_457 = arith.constant 0 : i32
      %dma_wait3A_458 = tpu.memref_slice %arg9[%dma_wait3A_457] : memref<4096xi32, #tpu.memory_space<vmem>> -> memref<2048xi32, #tpu.memory_space<vmem>>
      %dma_wait3A_459 = arith.constant 0 : i32
      %dma_wait3A_460 = tpu.memref_slice %arg3[%select_n3A_325, %dma_wait3A_459] : memref<8192x2048xi32, #tpu.memory_space<hbm>> -> memref<1x2048xi32, #tpu.memory_space<hbm>>
      %dma_wait3A_461 = tpu.memref_squeeze %dma_wait3A_460 : memref<1x2048xi32, #tpu.memory_space<hbm>> -> memref<2048xi32, #tpu.memory_space<hbm>>
      %dma_wait3A_462 = arith.constant 0 : i32
      %dma_wait3A_463 = tpu.memref_slice %arg3[%select_n3A_325, %dma_wait3A_462] : memref<8192x2048xi32, #tpu.memory_space<hbm>> -> memref<1x2048xi32, #tpu.memory_space<hbm>>
      %dma_wait3A_464 = tpu.memref_squeeze %dma_wait3A_463 : memref<1x2048xi32, #tpu.memory_space<hbm>> -> memref<2048xi32, #tpu.memory_space<hbm>>
      %dma_wait3A_465 = arith.constant 0 : i32
      %dma_wait3A_466 = tpu.memref_slice %arg9[%dma_wait3A_465] : memref<4096xi32, #tpu.memory_space<vmem>> -> memref<2048xi32, #tpu.memory_space<vmem>>
      tpu.wait_dma2 semaphore(%arg19 : memref<!tpu.dma_semaphore, #tpu.memory_space<semaphore_mem>>) src(%dma_wait3A_466 : memref<2048xi32, #tpu.memory_space<vmem>>) dst(%dma_wait3A_464 : memref<2048xi32, #tpu.memory_space<hbm>>)
      %scan3A_467 = arith.constant -1 : i32
      %scan3A_468 = arith.constant 0 : i32
      %scan3A_469 = arith.constant 16 : i32
      %scan3A_470 = arith.addi %scan3A_468, %scan3A_469 : i32
      %scan3A_471 = arith.constant 1 : i32
      %scan3A_472 = scf.for %scan3A_578 = %scan3A_468 to %scan3A_470 step %scan3A_471 iter_args(%scan3A_579 = %scan3A_467) -> (i32)  : i32 {
        %mul3A_580 = arith.constant 16 : i32
        %mul3A_581 = arith.muli %scan3A_578, %mul3A_580 : i32
        %get3A_582 = arith.index_cast %mul3A_581 : i32 to index
        %get3A_583 = tpu.vector_load %arg14[%get3A_582] {strides = array<i32>} : memref<256xi32, #tpu.memory_space<vmem>>, vector<16xi32>,
        %broadcast_in_dim3A_584 = arith.constant true
        %broadcast_in_dim3A_585 = vector.broadcast %broadcast_in_dim3A_584 : i1 to vector<16xi1>
        %masked_cumsum3A = tpu.scan <sum>, %get3A_583 masked %broadcast_in_dim3A_585 : vector<16xi32>, vector<16xi1> -> vector<16xi32>
        %sub3A_586 = arith.subi %masked_cumsum3A, %get3A_583 : vector<16xi32>
        %add3A_587 = vector.broadcast %scan3A_579 : i32 to vector<16xi32>
        %add3A_588 = arith.addi %sub3A_586, %add3A_587 : vector<16xi32>
        %mul3A_589 = arith.constant 16 : i32
        %mul3A_590 = arith.muli %scan3A_578, %mul3A_589 : i32
        %swap3A_591 = arith.index_cast %mul3A_590 : i32 to index
        %swap3A_592 = tpu.vector_load %arg14[%swap3A_591] {strides = array<i32>} : memref<256xi32, #tpu.memory_space<vmem>>, vector<16xi32>,
        tpu.vector_store %arg14[%swap3A_591], %add3A_588 {strides = array<i32>} : memref<256xi32, #tpu.memory_space<vmem>>, vector<16xi32>,
        %slice3A_593 = vector.extract_strided_slice %masked_cumsum3A {offsets = [15], sizes = [1], strides = [1]} : vector<16xi32> to vector<1xi32>
        %squeeze3A_594 = vector.extract %slice3A_593[0] : i32 from vector<1xi32>
        %add3A_595 = arith.addi %scan3A_579, %squeeze3A_594 : i32
        scf.yield %add3A_595 : i32
      }
      %scan3A_473 = arith.constant 16 : i32
      %scan3A_474 = arith.constant 0 : i32
      %scan3A_475 = arith.constant 0 : i32
      %scan3A_476 = arith.constant 16 : i32
      %scan3A_477 = arith.addi %scan3A_475, %scan3A_476 : i32
      %scan3A_478 = arith.constant 1 : i32
      scf.for %scan3A_578 = %scan3A_475 to %scan3A_477 step %scan3A_478  : i32 {
        %broadcast_in_dim3A_579 = arith.constant 0 : i32
        %broadcast_in_dim3A_580 = vector.broadcast %broadcast_in_dim3A_579 : i32 to vector<16xi32>
        %mul3A_581 = arith.constant 16 : i32
        %mul3A_582 = arith.muli %scan3A_578, %mul3A_581 : i32
        %swap3A_583 = arith.index_cast %mul3A_582 : i32 to index
        %swap3A_584 = tpu.vector_load %arg13[%swap3A_583] {strides = array<i32>} : memref<256xi32, #tpu.memory_space<vmem>>, vector<16xi32>,
        tpu.vector_store %arg13[%swap3A_583], %broadcast_in_dim3A_580 {strides = array<i32>} : memref<256xi32, #tpu.memory_space<vmem>>, vector<16xi32>,
      }
      %scan3A_479 = arith.constant 16 : i32
      %while3A_480 = arith.constant 0 : i32
      %while3A_481 = arith.constant 0 : i32
      %while3A_482 = arith.subi %select_n3A_353, %while3A_481 : i32
      %while3A_483 = arith.addi %while3A_481, %while3A_482 : i32
      %while3A_484 = arith.constant 1 : i32
      %while3A_485 = arith.divsi %while3A_482, %while3A_484 : i32
      %while3A_486 = arith.muli %while3A_485, %while3A_484 : i32
      %while3A_487 = arith.addi %while3A_481, %while3A_486 : i32
      %while3A_488 = arith.constant 1 : i32
      scf.for %while3A_578 = %while3A_481 to %while3A_487 step %while3A_488  : i32 {
        %mul3A_579 = arith.constant 16 : i32
        %mul3A_580 = arith.muli %while3A_578, %mul3A_579 : i32
        %get3A_581 = arith.index_cast %mul3A_580 : i32 to index
        %get3A_582 = tpu.vector_load %arg10[%get3A_581] {strides = array<i32>} : memref<4096xi32, #tpu.memory_space<vmem>>, vector<16xi32>,
        %broadcast_in_dim3A_583 = arith.constant 8 : i32
        %broadcast_in_dim3A_584 = vector.broadcast %broadcast_in_dim3A_583 : i32 to vector<16xi32>
        %shift_right_logical3A = arith.shrui %get3A_582, %broadcast_in_dim3A_584 : vector<16xi32>
        %broadcast_in_dim3A_585 = arith.constant 255 : i32
        %broadcast_in_dim3A_586 = vector.broadcast %broadcast_in_dim3A_585 : i32 to vector<16xi32>
        %and3A_587 = arith.andi %shift_right_logical3A, %broadcast_in_dim3A_586 : vector<16xi32>
        %broadcast_in_dim3A_588 = arith.constant true
        %broadcast_in_dim3A_589 = vector.broadcast %broadcast_in_dim3A_588 : i1 to vector<16xi1>
        %unique3A, %unique3A_590 = tpu.scan_count mask(%broadcast_in_dim3A_589 : vector<16xi1>) value(%and3A_587 : vector<16xi32>) : vector<16xi1>, vector<16xi32>
        %gather3A_591 = tpu.vector_load_idx %arg14[%and3A_587] : memref<256xi32, #tpu.memory_space<vmem>>[vector<16xi32>], vector<16xi32>,
        %add3A_592 = arith.addi %gather3A_591, %unique3A_590 : vector<16xi32>
        %mul3A_593 = arith.constant 16 : i32
        %mul3A_594 = arith.muli %while3A_578, %mul3A_593 : i32
        %get3A_595 = arith.index_cast %mul3A_594 : i32 to index
        %get3A_596 = tpu.vector_load %arg11[%get3A_595] {strides = array<i32>} : memref<4096xi32, #tpu.memory_space<vmem>>, vector<16xi32>,
        tpu.vector_store_idx %arg8[%add3A_592], %get3A_582 : memref<4096xi32, #tpu.memory_space<vmem>>[vector<16xi32>], vector<16xi32>,
        tpu.vector_store_idx %arg9[%add3A_592], %get3A_596 : memref<4096xi32, #tpu.memory_space<vmem>>[vector<16xi32>], vector<16xi32>,
        tpu.vector_store_idx %arg14[%and3A_587], %add3A_592 : memref<256xi32, #tpu.memory_space<vmem>>[vector<16xi32>], vector<16xi32>,
        %broadcast_in_dim3A_597 = arith.constant 16 : i32
        %broadcast_in_dim3A_598 = vector.broadcast %broadcast_in_dim3A_597 : i32 to vector<16xi32>
        %shift_right_logical3A_599 = arith.shrui %get3A_582, %broadcast_in_dim3A_598 : vector<16xi32>
        %broadcast_in_dim3A_600 = arith.constant 255 : i32
        %broadcast_in_dim3A_601 = vector.broadcast %broadcast_in_dim3A_600 : i32 to vector<16xi32>
        %and3A_602 = arith.andi %shift_right_logical3A_599, %broadcast_in_dim3A_601 : vector<16xi32>
        tpu.vector_store_idx %arg13[%and3A_602], %broadcast_in_dim3A_1 {add = true} : memref<256xi32, #tpu.memory_space<vmem>>[vector<16xi32>], vector<16xi32>,
      }
      %while3A_489 = arith.constant 1 : i32
      scf.for %while3A_578 = %while3A_487 to %while3A_483 step %while3A_489  : i32 {
        %mul3A_579 = arith.constant 16 : i32
        %mul3A_580 = arith.muli %while3A_578, %mul3A_579 : i32
        %get3A_581 = arith.index_cast %mul3A_580 : i32 to index
        %get3A_582 = tpu.vector_load %arg10[%get3A_581] {strides = array<i32>} : memref<4096xi32, #tpu.memory_space<vmem>>, vector<16xi32>,
        %broadcast_in_dim3A_583 = arith.constant 8 : i32
        %broadcast_in_dim3A_584 = vector.broadcast %broadcast_in_dim3A_583 : i32 to vector<16xi32>
        %shift_right_logical3A = arith.shrui %get3A_582, %broadcast_in_dim3A_584 : vector<16xi32>
        %broadcast_in_dim3A_585 = arith.constant 255 : i32
        %broadcast_in_dim3A_586 = vector.broadcast %broadcast_in_dim3A_585 : i32 to vector<16xi32>
        %and3A_587 = arith.andi %shift_right_logical3A, %broadcast_in_dim3A_586 : vector<16xi32>
        %broadcast_in_dim3A_588 = arith.constant true
        %broadcast_in_dim3A_589 = vector.broadcast %broadcast_in_dim3A_588 : i1 to vector<16xi1>
        %unique3A, %unique3A_590 = tpu.scan_count mask(%broadcast_in_dim3A_589 : vector<16xi1>) value(%and3A_587 : vector<16xi32>) : vector<16xi1>, vector<16xi32>
        %gather3A_591 = tpu.vector_load_idx %arg14[%and3A_587] : memref<256xi32, #tpu.memory_space<vmem>>[vector<16xi32>], vector<16xi32>,
        %add3A_592 = arith.addi %gather3A_591, %unique3A_590 : vector<16xi32>
        %mul3A_593 = arith.constant 16 : i32
        %mul3A_594 = arith.muli %while3A_578, %mul3A_593 : i32
        %get3A_595 = arith.index_cast %mul3A_594 : i32 to index
        %get3A_596 = tpu.vector_load %arg11[%get3A_595] {strides = array<i32>} : memref<4096xi32, #tpu.memory_space<vmem>>, vector<16xi32>,
        tpu.vector_store_idx %arg8[%add3A_592], %get3A_582 : memref<4096xi32, #tpu.memory_space<vmem>>[vector<16xi32>], vector<16xi32>,
        tpu.vector_store_idx %arg9[%add3A_592], %get3A_596 : memref<4096xi32, #tpu.memory_space<vmem>>[vector<16xi32>], vector<16xi32>,
        tpu.vector_store_idx %arg14[%and3A_587], %add3A_592 : memref<256xi32, #tpu.memory_space<vmem>>[vector<16xi32>], vector<16xi32>,
        %broadcast_in_dim3A_597 = arith.constant 16 : i32
        %broadcast_in_dim3A_598 = vector.broadcast %broadcast_in_dim3A_597 : i32 to vector<16xi32>
        %shift_right_logical3A_599 = arith.shrui %get3A_582, %broadcast_in_dim3A_598 : vector<16xi32>
        %broadcast_in_dim3A_600 = arith.constant 255 : i32
        %broadcast_in_dim3A_601 = vector.broadcast %broadcast_in_dim3A_600 : i32 to vector<16xi32>
        %and3A_602 = arith.andi %shift_right_logical3A_599, %broadcast_in_dim3A_601 : vector<16xi32>
        tpu.vector_store_idx %arg13[%and3A_602], %broadcast_in_dim3A_1 {add = true} : memref<256xi32, #tpu.memory_space<vmem>>[vector<16xi32>], vector<16xi32>,
      }
      %scan3A_490 = arith.constant -1 : i32
      %scan3A_491 = arith.constant 0 : i32
      %scan3A_492 = arith.constant 16 : i32
      %scan3A_493 = arith.addi %scan3A_491, %scan3A_492 : i32
      %scan3A_494 = arith.constant 1 : i32
      %scan3A_495 = scf.for %scan3A_578 = %scan3A_491 to %scan3A_493 step %scan3A_494 iter_args(%scan3A_579 = %scan3A_490) -> (i32)  : i32 {
        %mul3A_580 = arith.constant 16 : i32
        %mul3A_581 = arith.muli %scan3A_578, %mul3A_580 : i32
        %get3A_582 = arith.index_cast %mul3A_581 : i32 to index
        %get3A_583 = tpu.vector_load %arg13[%get3A_582] {strides = array<i32>} : memref<256xi32, #tpu.memory_space<vmem>>, vector<16xi32>,
        %broadcast_in_dim3A_584 = arith.constant true
        %broadcast_in_dim3A_585 = vector.broadcast %broadcast_in_dim3A_584 : i1 to vector<16xi1>
        %masked_cumsum3A = tpu.scan <sum>, %get3A_583 masked %broadcast_in_dim3A_585 : vector<16xi32>, vector<16xi1> -> vector<16xi32>
        %sub3A_586 = arith.subi %masked_cumsum3A, %get3A_583 : vector<16xi32>
        %add3A_587 = vector.broadcast %scan3A_579 : i32 to vector<16xi32>
        %add3A_588 = arith.addi %sub3A_586, %add3A_587 : vector<16xi32>
        %mul3A_589 = arith.constant 16 : i32
        %mul3A_590 = arith.muli %scan3A_578, %mul3A_589 : i32
        %swap3A_591 = arith.index_cast %mul3A_590 : i32 to index
        %swap3A_592 = tpu.vector_load %arg13[%swap3A_591] {strides = array<i32>} : memref<256xi32, #tpu.memory_space<vmem>>, vector<16xi32>,
        tpu.vector_store %arg13[%swap3A_591], %add3A_588 {strides = array<i32>} : memref<256xi32, #tpu.memory_space<vmem>>, vector<16xi32>,
        %slice3A_593 = vector.extract_strided_slice %masked_cumsum3A {offsets = [15], sizes = [1], strides = [1]} : vector<16xi32> to vector<1xi32>
        %squeeze3A_594 = vector.extract %slice3A_593[0] : i32 from vector<1xi32>
        %add3A_595 = arith.addi %scan3A_579, %squeeze3A_594 : i32
        scf.yield %add3A_595 : i32
      }
      %scan3A_496 = arith.constant 16 : i32
      %scan3A_497 = arith.constant 0 : i32
      %scan3A_498 = arith.constant 0 : i32
      %scan3A_499 = arith.constant 16 : i32
      %scan3A_500 = arith.addi %scan3A_498, %scan3A_499 : i32
      %scan3A_501 = arith.constant 1 : i32
      scf.for %scan3A_578 = %scan3A_498 to %scan3A_500 step %scan3A_501  : i32 {
        %broadcast_in_dim3A_579 = arith.constant 0 : i32
        %broadcast_in_dim3A_580 = vector.broadcast %broadcast_in_dim3A_579 : i32 to vector<16xi32>
        %mul3A_581 = arith.constant 16 : i32
        %mul3A_582 = arith.muli %scan3A_578, %mul3A_581 : i32
        %swap3A_583 = arith.index_cast %mul3A_582 : i32 to index
        %swap3A_584 = tpu.vector_load %arg14[%swap3A_583] {strides = array<i32>} : memref<256xi32, #tpu.memory_space<vmem>>, vector<16xi32>,
        tpu.vector_store %arg14[%swap3A_583], %broadcast_in_dim3A_580 {strides = array<i32>} : memref<256xi32, #tpu.memory_space<vmem>>, vector<16xi32>,
      }
      %scan3A_502 = arith.constant 16 : i32
      %while3A_503 = arith.constant 0 : i32
      %while3A_504 = arith.constant 0 : i32
      %while3A_505 = arith.subi %select_n3A_353, %while3A_504 : i32
      %while3A_506 = arith.addi %while3A_504, %while3A_505 : i32
      %while3A_507 = arith.constant 1 : i32
      %while3A_508 = arith.divsi %while3A_505, %while3A_507 : i32
      %while3A_509 = arith.muli %while3A_508, %while3A_507 : i32
      %while3A_510 = arith.addi %while3A_504, %while3A_509 : i32
      %while3A_511 = arith.constant 1 : i32
      scf.for %while3A_578 = %while3A_504 to %while3A_510 step %while3A_511  : i32 {
        %mul3A_579 = arith.constant 16 : i32
        %mul3A_580 = arith.muli %while3A_578, %mul3A_579 : i32
        %get3A_581 = arith.index_cast %mul3A_580 : i32 to index
        %get3A_582 = tpu.vector_load %arg8[%get3A_581] {strides = array<i32>} : memref<4096xi32, #tpu.memory_space<vmem>>, vector<16xi32>,
        %broadcast_in_dim3A_583 = arith.constant 16 : i32
        %broadcast_in_dim3A_584 = vector.broadcast %broadcast_in_dim3A_583 : i32 to vector<16xi32>
        %shift_right_logical3A = arith.shrui %get3A_582, %broadcast_in_dim3A_584 : vector<16xi32>
        %broadcast_in_dim3A_585 = arith.constant 255 : i32
        %broadcast_in_dim3A_586 = vector.broadcast %broadcast_in_dim3A_585 : i32 to vector<16xi32>
        %and3A_587 = arith.andi %shift_right_logical3A, %broadcast_in_dim3A_586 : vector<16xi32>
        %broadcast_in_dim3A_588 = arith.constant true
        %broadcast_in_dim3A_589 = vector.broadcast %broadcast_in_dim3A_588 : i1 to vector<16xi1>
        %unique3A, %unique3A_590 = tpu.scan_count mask(%broadcast_in_dim3A_589 : vector<16xi1>) value(%and3A_587 : vector<16xi32>) : vector<16xi1>, vector<16xi32>
        %gather3A_591 = tpu.vector_load_idx %arg13[%and3A_587] : memref<256xi32, #tpu.memory_space<vmem>>[vector<16xi32>], vector<16xi32>,
        %add3A_592 = arith.addi %gather3A_591, %unique3A_590 : vector<16xi32>
        %mul3A_593 = arith.constant 16 : i32
        %mul3A_594 = arith.muli %while3A_578, %mul3A_593 : i32
        %get3A_595 = arith.index_cast %mul3A_594 : i32 to index
        %get3A_596 = tpu.vector_load %arg9[%get3A_595] {strides = array<i32>} : memref<4096xi32, #tpu.memory_space<vmem>>, vector<16xi32>,
        tpu.vector_store_idx %arg10[%add3A_592], %get3A_582 : memref<4096xi32, #tpu.memory_space<vmem>>[vector<16xi32>], vector<16xi32>,
        tpu.vector_store_idx %arg11[%add3A_592], %get3A_596 : memref<4096xi32, #tpu.memory_space<vmem>>[vector<16xi32>], vector<16xi32>,
        tpu.vector_store_idx %arg13[%and3A_587], %add3A_592 : memref<256xi32, #tpu.memory_space<vmem>>[vector<16xi32>], vector<16xi32>,
        %broadcast_in_dim3A_597 = arith.constant 24 : i32
        %broadcast_in_dim3A_598 = vector.broadcast %broadcast_in_dim3A_597 : i32 to vector<16xi32>
        %shift_right_logical3A_599 = arith.shrui %get3A_582, %broadcast_in_dim3A_598 : vector<16xi32>
        tpu.vector_store_idx %arg14[%shift_right_logical3A_599], %broadcast_in_dim3A_1 {add = true} : memref<256xi32, #tpu.memory_space<vmem>>[vector<16xi32>], vector<16xi32>,
      }
      %while3A_512 = arith.constant 1 : i32
      scf.for %while3A_578 = %while3A_510 to %while3A_506 step %while3A_512  : i32 {
        %mul3A_579 = arith.constant 16 : i32
        %mul3A_580 = arith.muli %while3A_578, %mul3A_579 : i32
        %get3A_581 = arith.index_cast %mul3A_580 : i32 to index
        %get3A_582 = tpu.vector_load %arg8[%get3A_581] {strides = array<i32>} : memref<4096xi32, #tpu.memory_space<vmem>>, vector<16xi32>,
        %broadcast_in_dim3A_583 = arith.constant 16 : i32
        %broadcast_in_dim3A_584 = vector.broadcast %broadcast_in_dim3A_583 : i32 to vector<16xi32>
        %shift_right_logical3A = arith.shrui %get3A_582, %broadcast_in_dim3A_584 : vector<16xi32>
        %broadcast_in_dim3A_585 = arith.constant 255 : i32
        %broadcast_in_dim3A_586 = vector.broadcast %broadcast_in_dim3A_585 : i32 to vector<16xi32>
        %and3A_587 = arith.andi %shift_right_logical3A, %broadcast_in_dim3A_586 : vector<16xi32>
        %broadcast_in_dim3A_588 = arith.constant true
        %broadcast_in_dim3A_589 = vector.broadcast %broadcast_in_dim3A_588 : i1 to vector<16xi1>
        %unique3A, %unique3A_590 = tpu.scan_count mask(%broadcast_in_dim3A_589 : vector<16xi1>) value(%and3A_587 : vector<16xi32>) : vector<16xi1>, vector<16xi32>
        %gather3A_591 = tpu.vector_load_idx %arg13[%and3A_587] : memref<256xi32, #tpu.memory_space<vmem>>[vector<16xi32>], vector<16xi32>,
        %add3A_592 = arith.addi %gather3A_591, %unique3A_590 : vector<16xi32>
        %mul3A_593 = arith.constant 16 : i32
        %mul3A_594 = arith.muli %while3A_578, %mul3A_593 : i32
        %get3A_595 = arith.index_cast %mul3A_594 : i32 to index
        %get3A_596 = tpu.vector_load %arg9[%get3A_595] {strides = array<i32>} : memref<4096xi32, #tpu.memory_space<vmem>>, vector<16xi32>,
        tpu.vector_store_idx %arg10[%add3A_592], %get3A_582 : memref<4096xi32, #tpu.memory_space<vmem>>[vector<16xi32>], vector<16xi32>,
        tpu.vector_store_idx %arg11[%add3A_592], %get3A_596 : memref<4096xi32, #tpu.memory_space<vmem>>[vector<16xi32>], vector<16xi32>,
        tpu.vector_store_idx %arg13[%and3A_587], %add3A_592 : memref<256xi32, #tpu.memory_space<vmem>>[vector<16xi32>], vector<16xi32>,
        %broadcast_in_dim3A_597 = arith.constant 24 : i32
        %broadcast_in_dim3A_598 = vector.broadcast %broadcast_in_dim3A_597 : i32 to vector<16xi32>
        %shift_right_logical3A_599 = arith.shrui %get3A_582, %broadcast_in_dim3A_598 : vector<16xi32>
        tpu.vector_store_idx %arg14[%shift_right_logical3A_599], %broadcast_in_dim3A_1 {add = true} : memref<256xi32, #tpu.memory_space<vmem>>[vector<16xi32>], vector<16xi32>,
      }
      %scan3A_513 = arith.constant -1 : i32
      %scan3A_514 = arith.constant 0 : i32
      %scan3A_515 = arith.constant 16 : i32
      %scan3A_516 = arith.addi %scan3A_514, %scan3A_515 : i32
      %scan3A_517 = arith.constant 1 : i32
      %scan3A_518 = scf.for %scan3A_578 = %scan3A_514 to %scan3A_516 step %scan3A_517 iter_args(%scan3A_579 = %scan3A_513) -> (i32)  : i32 {
        %mul3A_580 = arith.constant 16 : i32
        %mul3A_581 = arith.muli %scan3A_578, %mul3A_580 : i32
        %get3A_582 = arith.index_cast %mul3A_581 : i32 to index
        %get3A_583 = tpu.vector_load %arg14[%get3A_582] {strides = array<i32>} : memref<256xi32, #tpu.memory_space<vmem>>, vector<16xi32>,
        %broadcast_in_dim3A_584 = arith.constant true
        %broadcast_in_dim3A_585 = vector.broadcast %broadcast_in_dim3A_584 : i1 to vector<16xi1>
        %masked_cumsum3A = tpu.scan <sum>, %get3A_583 masked %broadcast_in_dim3A_585 : vector<16xi32>, vector<16xi1> -> vector<16xi32>
        %sub3A_586 = arith.subi %masked_cumsum3A, %get3A_583 : vector<16xi32>
        %add3A_587 = vector.broadcast %scan3A_579 : i32 to vector<16xi32>
        %add3A_588 = arith.addi %sub3A_586, %add3A_587 : vector<16xi32>
        %mul3A_589 = arith.constant 16 : i32
        %mul3A_590 = arith.muli %scan3A_578, %mul3A_589 : i32
        %swap3A_591 = arith.index_cast %mul3A_590 : i32 to index
        %swap3A_592 = tpu.vector_load %arg14[%swap3A_591] {strides = array<i32>} : memref<256xi32, #tpu.memory_space<vmem>>, vector<16xi32>,
        tpu.vector_store %arg14[%swap3A_591], %add3A_588 {strides = array<i32>} : memref<256xi32, #tpu.memory_space<vmem>>, vector<16xi32>,
        %slice3A_593 = vector.extract_strided_slice %masked_cumsum3A {offsets = [15], sizes = [1], strides = [1]} : vector<16xi32> to vector<1xi32>
        %squeeze3A_594 = vector.extract %slice3A_593[0] : i32 from vector<1xi32>
        %add3A_595 = arith.addi %scan3A_579, %squeeze3A_594 : i32
        scf.yield %add3A_595 : i32
      }
      %scan3A_519 = arith.constant 16 : i32
      %while3A_520 = arith.constant 0 : i32
      %while3A_521 = arith.constant 0 : i32
      %while3A_522 = arith.subi %select_n3A_353, %while3A_521 : i32
      %while3A_523 = arith.addi %while3A_521, %while3A_522 : i32
      %while3A_524 = arith.constant 1 : i32
      %while3A_525 = arith.divsi %while3A_522, %while3A_524 : i32
      %while3A_526 = arith.muli %while3A_525, %while3A_524 : i32
      %while3A_527 = arith.addi %while3A_521, %while3A_526 : i32
      %while3A_528 = arith.constant 1 : i32
      scf.for %while3A_578 = %while3A_521 to %while3A_527 step %while3A_528  : i32 {
        %mul3A_579 = arith.constant 16 : i32
        %mul3A_580 = arith.muli %while3A_578, %mul3A_579 : i32
        %get3A_581 = arith.index_cast %mul3A_580 : i32 to index
        %get3A_582 = tpu.vector_load %arg10[%get3A_581] {strides = array<i32>} : memref<4096xi32, #tpu.memory_space<vmem>>, vector<16xi32>,
        %broadcast_in_dim3A_583 = arith.constant 24 : i32
        %broadcast_in_dim3A_584 = vector.broadcast %broadcast_in_dim3A_583 : i32 to vector<16xi32>
        %shift_right_logical3A = arith.shrui %get3A_582, %broadcast_in_dim3A_584 : vector<16xi32>
        %broadcast_in_dim3A_585 = arith.constant true
        %broadcast_in_dim3A_586 = vector.broadcast %broadcast_in_dim3A_585 : i1 to vector<16xi1>
        %unique3A, %unique3A_587 = tpu.scan_count mask(%broadcast_in_dim3A_586 : vector<16xi1>) value(%shift_right_logical3A : vector<16xi32>) : vector<16xi1>, vector<16xi32>
        %gather3A_588 = tpu.vector_load_idx %arg14[%shift_right_logical3A] : memref<256xi32, #tpu.memory_space<vmem>>[vector<16xi32>], vector<16xi32>,
        %add3A_589 = arith.addi %gather3A_588, %unique3A_587 : vector<16xi32>
        %mul3A_590 = arith.constant 16 : i32
        %mul3A_591 = arith.muli %while3A_578, %mul3A_590 : i32
        %get3A_592 = arith.index_cast %mul3A_591 : i32 to index
        %get3A_593 = tpu.vector_load %arg11[%get3A_592] {strides = array<i32>} : memref<4096xi32, #tpu.memory_space<vmem>>, vector<16xi32>,
        tpu.vector_store_idx %arg9[%add3A_589], %get3A_593 : memref<4096xi32, #tpu.memory_space<vmem>>[vector<16xi32>], vector<16xi32>,
        tpu.vector_store_idx %arg14[%shift_right_logical3A], %add3A_589 : memref<256xi32, #tpu.memory_space<vmem>>[vector<16xi32>], vector<16xi32>,
      }
      %while3A_529 = arith.constant 1 : i32
      scf.for %while3A_578 = %while3A_527 to %while3A_523 step %while3A_529  : i32 {
        %mul3A_579 = arith.constant 16 : i32
        %mul3A_580 = arith.muli %while3A_578, %mul3A_579 : i32
        %get3A_581 = arith.index_cast %mul3A_580 : i32 to index
        %get3A_582 = tpu.vector_load %arg10[%get3A_581] {strides = array<i32>} : memref<4096xi32, #tpu.memory_space<vmem>>, vector<16xi32>,
        %broadcast_in_dim3A_583 = arith.constant 24 : i32
        %broadcast_in_dim3A_584 = vector.broadcast %broadcast_in_dim3A_583 : i32 to vector<16xi32>
        %shift_right_logical3A = arith.shrui %get3A_582, %broadcast_in_dim3A_584 : vector<16xi32>
        %broadcast_in_dim3A_585 = arith.constant true
        %broadcast_in_dim3A_586 = vector.broadcast %broadcast_in_dim3A_585 : i1 to vector<16xi1>
        %unique3A, %unique3A_587 = tpu.scan_count mask(%broadcast_in_dim3A_586 : vector<16xi1>) value(%shift_right_logical3A : vector<16xi32>) : vector<16xi1>, vector<16xi32>
        %gather3A_588 = tpu.vector_load_idx %arg14[%shift_right_logical3A] : memref<256xi32, #tpu.memory_space<vmem>>[vector<16xi32>], vector<16xi32>,
        %add3A_589 = arith.addi %gather3A_588, %unique3A_587 : vector<16xi32>
        %mul3A_590 = arith.constant 16 : i32
        %mul3A_591 = arith.muli %while3A_578, %mul3A_590 : i32
        %get3A_592 = arith.index_cast %mul3A_591 : i32 to index
        %get3A_593 = tpu.vector_load %arg11[%get3A_592] {strides = array<i32>} : memref<4096xi32, #tpu.memory_space<vmem>>, vector<16xi32>,
        tpu.vector_store_idx %arg9[%add3A_589], %get3A_593 : memref<4096xi32, #tpu.memory_space<vmem>>[vector<16xi32>], vector<16xi32>,
        tpu.vector_store_idx %arg14[%shift_right_logical3A], %add3A_589 : memref<256xi32, #tpu.memory_space<vmem>>[vector<16xi32>], vector<16xi32>,
      }
      %min3A_530 = arith.constant 128 : i32
      %min3A_531 = arith.minsi %select_n3A_353, %min3A_530 : i32
      %while3A_532 = arith.constant 0 : i32
      %while3A_533 = arith.constant 128 : i32
      %while3A_534 = arith.subi %while3A_533, %min3A_531 : i32
      %while3A_535 = arith.addi %min3A_531, %while3A_534 : i32
      %while3A_536 = arith.constant 1 : i32
      %while3A_537 = arith.divsi %while3A_534, %while3A_536 : i32
      %while3A_538 = arith.muli %while3A_537, %while3A_536 : i32
      %while3A_539 = arith.addi %min3A_531, %while3A_538 : i32
      %while3A_540 = arith.constant 1 : i32
      scf.for %while3A_578 = %min3A_531 to %while3A_539 step %while3A_540  : i32 {
        %mul3A_579 = arith.constant 16 : i32
        %mul3A_580 = arith.muli %while3A_578, %mul3A_579 : i32
        %add3A_581 = vector.broadcast %mul3A_580 : i32 to vector<16xi32>
        %add3A_582 = arith.addi %iota3A, %add3A_581 : vector<16xi32>
        %mul3A_583 = arith.constant 16 : i32
        %mul3A_584 = arith.muli %while3A_578, %mul3A_583 : i32
        %swap3A_585 = arith.index_cast %mul3A_584 : i32 to index
        %swap3A_586 = tpu.vector_load %arg9[%swap3A_585] {strides = array<i32>} : memref<4096xi32, #tpu.memory_space<vmem>>, vector<16xi32>,
        tpu.vector_store %arg9[%swap3A_585], %add3A_582 {strides = array<i32>} : memref<4096xi32, #tpu.memory_space<vmem>>, vector<16xi32>,
      }
      %while3A_541 = arith.constant 1 : i32
      scf.for %while3A_578 = %while3A_539 to %while3A_535 step %while3A_541  : i32 {
        %mul3A_579 = arith.constant 16 : i32
        %mul3A_580 = arith.muli %while3A_578, %mul3A_579 : i32
        %add3A_581 = vector.broadcast %mul3A_580 : i32 to vector<16xi32>
        %add3A_582 = arith.addi %iota3A, %add3A_581 : vector<16xi32>
        %mul3A_583 = arith.constant 16 : i32
        %mul3A_584 = arith.muli %while3A_578, %mul3A_583 : i32
        %swap3A_585 = arith.index_cast %mul3A_584 : i32 to index
        %swap3A_586 = tpu.vector_load %arg9[%swap3A_585] {strides = array<i32>} : memref<4096xi32, #tpu.memory_space<vmem>>, vector<16xi32>,
        tpu.vector_store %arg9[%swap3A_585], %add3A_582 {strides = array<i32>} : memref<4096xi32, #tpu.memory_space<vmem>>, vector<16xi32>,
      }
      %mul3A_542 = arith.constant 16 : i32
      %mul3A_543 = arith.muli %select_n3A_353, %mul3A_542 : i32
      %ge3A_544 = arith.constant 2048 : i32
      %ge3A_545 = arith.cmpi sge, %mul3A_543, %ge3A_544 : i32
      %get3A_546 = arith.constant 2032 : index
      %get3A_547 = tpu.vector_load %arg9[%get3A_546] {strides = array<i32>} : memref<4096xi32, #tpu.memory_space<vmem>>, vector<16xi32>,
      %slice3A_548 = vector.extract_strided_slice %get3A_547 {offsets = [15], sizes = [1], strides = [1]} : vector<16xi32> to vector<1xi32>
      %squeeze3A_549 = vector.extract %slice3A_548[0] : i32 from vector<1xi32>
      %jit3A_550 = arith.constant 2047 : i32
      %select_n3A_551 = arith.select %ge3A_545, %squeeze3A_549, %jit3A_550 : i32
      %broadcast_in_dim3A_552 = vector.broadcast %select_n3A_551 : i32 to vector<16xi32>
      %gather3A_553 = tpu.vector_load_idx %arg12[%broadcast_in_dim3A_552] : memref<4096xi32, #tpu.memory_space<vmem>>[vector<16xi32>], vector<16xi32>,
      %slice3A_554 = vector.extract_strided_slice %gather3A_553 {offsets = [15], sizes = [1], strides = [1]} : vector<16xi32> to vector<1xi32>
      %squeeze3A_555 = vector.extract %slice3A_554[0] : i32 from vector<1xi32>
      %jit3A_556 = arith.constant -1 : i32
      %select_n3A_557 = arith.select %ge3A_545, %squeeze3A_555, %jit3A_556 : i32
      %xor3A_558 = arith.constant 2147483647 : i32
      %xor3A_559 = arith.xori %select_n3A_557, %xor3A_558 : i32
      %lt3A_560 = arith.constant 128 : i32
      %lt3A_561 = arith.cmpi slt, %add3A_312, %lt3A_560 : i32
      %sub3A_562 = arith.constant 383 : i32
      %sub3A_563 = arith.subi %sub3A_562, %add3A_312 : i32
      %select_n3A_564 = arith.select %lt3A_561, %add3A_312, %sub3A_563 : i32
      %broadcast_in_dim3A_565 = vector.broadcast %select_n3A_564 : i32 to vector<16xi32>
      %broadcast_in_dim3A_566 = vector.broadcast %xor3A_559 : i32 to vector<16xi32>
      tpu.vector_store_idx %arg15[%broadcast_in_dim3A_565], %broadcast_in_dim3A_566 : memref<256xi32, #tpu.memory_space<vmem>>[vector<16xi32>], vector<16xi32>,
      %broadcast_in_dim3A_567 = vector.broadcast %select_n3A_551 : i32 to vector<16xi32>
      tpu.vector_store_idx %arg16[%broadcast_in_dim3A_565], %broadcast_in_dim3A_567 : memref<256xi32, #tpu.memory_space<vmem>>[vector<16xi32>], vector<16xi32>,
      %dma_start3A_568 = arith.constant 0 : i32
      %dma_start3A_569 = tpu.memref_slice %arg9[%dma_start3A_568] : memref<4096xi32, #tpu.memory_space<vmem>> -> memref<2048xi32, #tpu.memory_space<vmem>>
      %dma_start3A_570 = arith.constant 0 : i32
      %dma_start3A_571 = tpu.memref_slice %arg3[%select_n3A_325, %dma_start3A_570] : memref<8192x2048xi32, #tpu.memory_space<hbm>> -> memref<1x2048xi32, #tpu.memory_space<hbm>>
      %dma_start3A_572 = tpu.memref_squeeze %dma_start3A_571 : memref<1x2048xi32, #tpu.memory_space<hbm>> -> memref<2048xi32, #tpu.memory_space<hbm>>
      %dma_start3A_573 = arith.constant 0 : i32
      %dma_start3A_574 = tpu.memref_slice %arg3[%select_n3A_325, %dma_start3A_573] : memref<8192x2048xi32, #tpu.memory_space<hbm>> -> memref<1x2048xi32, #tpu.memory_space<hbm>>
      %dma_start3A_575 = tpu.memref_squeeze %dma_start3A_574 : memref<1x2048xi32, #tpu.memory_space<hbm>> -> memref<2048xi32, #tpu.memory_space<hbm>>
      %dma_start3A_576 = arith.constant 0 : i32
      %dma_start3A_577 = tpu.memref_slice %arg9[%dma_start3A_576] : memref<4096xi32, #tpu.memory_space<vmem>> -> memref<2048xi32, #tpu.memory_space<vmem>>
      tpu.enqueue_dma source(%dma_start3A_577 : memref<2048xi32, #tpu.memory_space<vmem>>) target(%dma_start3A_575 : memref<2048xi32, #tpu.memory_space<hbm>>) target_semaphore(%arg19 : memref<!tpu.dma_semaphore, #tpu.memory_space<semaphore_mem>>)
    }
    %scan3A_34 = arith.constant 128 : i32
    %dma_wait3A = arith.constant 0 : i32
    %dma_wait3A_35 = tpu.memref_slice %arg9[%dma_wait3A] : memref<4096xi32, #tpu.memory_space<vmem>> -> memref<2048xi32, #tpu.memory_space<vmem>>
    %dma_wait3A_36 = arith.constant 0 : i32
    %dma_wait3A_37 = tpu.memref_slice %arg3[%select_n3A, %dma_wait3A_36] : memref<8192x2048xi32, #tpu.memory_space<hbm>> -> memref<1x2048xi32, #tpu.memory_space<hbm>>
    %dma_wait3A_38 = tpu.memref_squeeze %dma_wait3A_37 : memref<1x2048xi32, #tpu.memory_space<hbm>> -> memref<2048xi32, #tpu.memory_space<hbm>>
    %dma_wait3A_39 = arith.constant 0 : i32
    %dma_wait3A_40 = tpu.memref_slice %arg3[%select_n3A, %dma_wait3A_39] : memref<8192x2048xi32, #tpu.memory_space<hbm>> -> memref<1x2048xi32, #tpu.memory_space<hbm>>
    %dma_wait3A_41 = tpu.memref_squeeze %dma_wait3A_40 : memref<1x2048xi32, #tpu.memory_space<hbm>> -> memref<2048xi32, #tpu.memory_space<hbm>>
    %dma_wait3A_42 = arith.constant 0 : i32
    %dma_wait3A_43 = tpu.memref_slice %arg9[%dma_wait3A_42] : memref<4096xi32, #tpu.memory_space<vmem>> -> memref<2048xi32, #tpu.memory_space<vmem>>
    tpu.wait_dma2 semaphore(%arg19 : memref<!tpu.dma_semaphore, #tpu.memory_space<semaphore_mem>>) src(%dma_wait3A_43 : memref<2048xi32, #tpu.memory_space<vmem>>) dst(%dma_wait3A_41 : memref<2048xi32, #tpu.memory_space<hbm>>)
    %dma_wait3A_44 = arith.constant 0 : i32
    %dma_wait3A_45 = tpu.memref_slice %arg2[%select_n3A, %dma_wait3A_44] : memref<8192x4096xf32, #tpu.memory_space<hbm>> -> memref<1x4096xf32, #tpu.memory_space<hbm>>
    %dma_wait3A_46 = tpu.memref_squeeze %dma_wait3A_45 : memref<1x4096xf32, #tpu.memory_space<hbm>> -> memref<4096xf32, #tpu.memory_space<hbm>>
    %dma_wait3A_47 = arith.constant 0 : i32
    %dma_wait3A_48 = tpu.memref_slice %arg2[%select_n3A, %dma_wait3A_47] : memref<8192x4096xf32, #tpu.memory_space<hbm>> -> memref<1x4096xf32, #tpu.memory_space<hbm>>
    %dma_wait3A_49 = tpu.memref_squeeze %dma_wait3A_48 : memref<1x4096xf32, #tpu.memory_space<hbm>> -> memref<4096xf32, #tpu.memory_space<hbm>>
    tpu.wait_dma2 semaphore(%arg17 : memref<!tpu.dma_semaphore, #tpu.memory_space<semaphore_mem>>) src(%dma_wait3A_49 : memref<4096xf32, #tpu.memory_space<hbm>>) dst(%arg6 : memref<4096xf32, #tpu.memory_space<vmem>>)
    %mul3A_50 = arith.constant 128 : i32
    %mul3A_51 = arith.muli %add3A, %mul3A_50 : i32
    %add3A_52 = arith.constant 1 : i32
    %add3A_53 = arith.addi %add3A, %add3A_52 : i32
    %mul3A_54 = arith.constant 128 : i32
    %mul3A_55 = arith.muli %add3A_53, %mul3A_54 : i32
    %sub3A_56 = arith.constant 8192 : i32
    %sub3A_57 = arith.subi %sub3A_56, %mul3A_55 : i32
    "tpu.region"() ({
      %run_scoped3A = tpu.sem_alloc : memref<!tpu.dma_semaphore, #tpu.memory_space<semaphore_mem>>
      %dma_start3A_58 = arith.constant 0 : i32
      %dma_start3A_59 = tpu.memref_slice %arg15[%dma_start3A_58] : memref<256xi32, #tpu.memory_space<vmem>> -> memref<128xi32, #tpu.memory_space<vmem>>
      %dma_start3A_60 = tpu.memref_slice %arg4[%mul3A_51] : memref<8192xi32, #tpu.memory_space<hbm>> -> memref<128xi32, #tpu.memory_space<hbm>>
      %dma_start3A_61 = tpu.memref_slice %arg4[%mul3A_51] : memref<8192xi32, #tpu.memory_space<hbm>> -> memref<128xi32, #tpu.memory_space<hbm>>
      %dma_start3A_62 = arith.constant 0 : i32
      %dma_start3A_63 = tpu.memref_slice %arg15[%dma_start3A_62] : memref<256xi32, #tpu.memory_space<vmem>> -> memref<128xi32, #tpu.memory_space<vmem>>
      tpu.enqueue_dma source(%dma_start3A_63 : memref<128xi32, #tpu.memory_space<vmem>>) target(%dma_start3A_61 : memref<128xi32, #tpu.memory_space<hbm>>) target_semaphore(%run_scoped3A : memref<!tpu.dma_semaphore, #tpu.memory_space<semaphore_mem>>)
      %dma_wait3A_64 = arith.constant 0 : i32
      %dma_wait3A_65 = tpu.memref_slice %arg15[%dma_wait3A_64] : memref<256xi32, #tpu.memory_space<vmem>> -> memref<128xi32, #tpu.memory_space<vmem>>
      %dma_wait3A_66 = tpu.memref_slice %arg4[%mul3A_51] : memref<8192xi32, #tpu.memory_space<hbm>> -> memref<128xi32, #tpu.memory_space<hbm>>
      %dma_wait3A_67 = tpu.memref_slice %arg4[%mul3A_51] : memref<8192xi32, #tpu.memory_space<hbm>> -> memref<128xi32, #tpu.memory_space<hbm>>
      %dma_wait3A_68 = arith.constant 0 : i32
      %dma_wait3A_69 = tpu.memref_slice %arg15[%dma_wait3A_68] : memref<256xi32, #tpu.memory_space<vmem>> -> memref<128xi32, #tpu.memory_space<vmem>>
      tpu.wait_dma2 semaphore(%run_scoped3A : memref<!tpu.dma_semaphore, #tpu.memory_space<semaphore_mem>>) src(%dma_wait3A_69 : memref<128xi32, #tpu.memory_space<vmem>>) dst(%dma_wait3A_67 : memref<128xi32, #tpu.memory_space<hbm>>)
      tpu.yield
    }) : () -> ()
    "tpu.region"() ({
      %run_scoped3A = tpu.sem_alloc : memref<!tpu.dma_semaphore, #tpu.memory_space<semaphore_mem>>
      %dma_start3A_58 = arith.constant 0 : i32
      %dma_start3A_59 = tpu.memref_slice %arg16[%dma_start3A_58] : memref<256xi32, #tpu.memory_space<vmem>> -> memref<128xi32, #tpu.memory_space<vmem>>
      %dma_start3A_60 = tpu.memref_slice %arg5[%mul3A_51] : memref<8192xi32, #tpu.memory_space<hbm>> -> memref<128xi32, #tpu.memory_space<hbm>>
      %dma_start3A_61 = tpu.memref_slice %arg5[%mul3A_51] : memref<8192xi32, #tpu.memory_space<hbm>> -> memref<128xi32, #tpu.memory_space<hbm>>
      %dma_start3A_62 = arith.constant 0 : i32
      %dma_start3A_63 = tpu.memref_slice %arg16[%dma_start3A_62] : memref<256xi32, #tpu.memory_space<vmem>> -> memref<128xi32, #tpu.memory_space<vmem>>
      tpu.enqueue_dma source(%dma_start3A_63 : memref<128xi32, #tpu.memory_space<vmem>>) target(%dma_start3A_61 : memref<128xi32, #tpu.memory_space<hbm>>) target_semaphore(%run_scoped3A : memref<!tpu.dma_semaphore, #tpu.memory_space<semaphore_mem>>)
      %dma_wait3A_64 = arith.constant 0 : i32
      %dma_wait3A_65 = tpu.memref_slice %arg16[%dma_wait3A_64] : memref<256xi32, #tpu.memory_space<vmem>> -> memref<128xi32, #tpu.memory_space<vmem>>
      %dma_wait3A_66 = tpu.memref_slice %arg5[%mul3A_51] : memref<8192xi32, #tpu.memory_space<hbm>> -> memref<128xi32, #tpu.memory_space<hbm>>
      %dma_wait3A_67 = tpu.memref_slice %arg5[%mul3A_51] : memref<8192xi32, #tpu.memory_space<hbm>> -> memref<128xi32, #tpu.memory_space<hbm>>
      %dma_wait3A_68 = arith.constant 0 : i32
      %dma_wait3A_69 = tpu.memref_slice %arg16[%dma_wait3A_68] : memref<256xi32, #tpu.memory_space<vmem>> -> memref<128xi32, #tpu.memory_space<vmem>>
      tpu.wait_dma2 semaphore(%run_scoped3A : memref<!tpu.dma_semaphore, #tpu.memory_space<semaphore_mem>>) src(%dma_wait3A_69 : memref<128xi32, #tpu.memory_space<vmem>>) dst(%dma_wait3A_67 : memref<128xi32, #tpu.memory_space<hbm>>)
      tpu.yield
    }) : () -> ()
    "tpu.region"() ({
      %run_scoped3A = tpu.sem_alloc : memref<!tpu.dma_semaphore, #tpu.memory_space<semaphore_mem>>
      %dma_start3A_58 = arith.constant 128 : i32
      %dma_start3A_59 = tpu.memref_slice %arg15[%dma_start3A_58] : memref<256xi32, #tpu.memory_space<vmem>> -> memref<128xi32, #tpu.memory_space<vmem>>
      %dma_start3A_60 = tpu.memref_slice %arg4[%sub3A_57] : memref<8192xi32, #tpu.memory_space<hbm>> -> memref<128xi32, #tpu.memory_space<hbm>>
      %dma_start3A_61 = tpu.memref_slice %arg4[%sub3A_57] : memref<8192xi32, #tpu.memory_space<hbm>> -> memref<128xi32, #tpu.memory_space<hbm>>
      %dma_start3A_62 = arith.constant 128 : i32
      %dma_start3A_63 = tpu.memref_slice %arg15[%dma_start3A_62] : memref<256xi32, #tpu.memory_space<vmem>> -> memref<128xi32, #tpu.memory_space<vmem>>
      tpu.enqueue_dma source(%dma_start3A_63 : memref<128xi32, #tpu.memory_space<vmem>>) target(%dma_start3A_61 : memref<128xi32, #tpu.memory_space<hbm>>) target_semaphore(%run_scoped3A : memref<!tpu.dma_semaphore, #tpu.memory_space<semaphore_mem>>)
      %dma_wait3A_64 = arith.constant 128 : i32
      %dma_wait3A_65 = tpu.memref_slice %arg15[%dma_wait3A_64] : memref<256xi32, #tpu.memory_space<vmem>> -> memref<128xi32, #tpu.memory_space<vmem>>
      %dma_wait3A_66 = tpu.memref_slice %arg4[%sub3A_57] : memref<8192xi32, #tpu.memory_space<hbm>> -> memref<128xi32, #tpu.memory_space<hbm>>
      %dma_wait3A_67 = tpu.memref_slice %arg4[%sub3A_57] : memref<8192xi32, #tpu.memory_space<hbm>> -> memref<128xi32, #tpu.memory_space<hbm>>
      %dma_wait3A_68 = arith.constant 128 : i32
      %dma_wait3A_69 = tpu.memref_slice %arg15[%dma_wait3A_68] : memref<256xi32, #tpu.memory_space<vmem>> -> memref<128xi32, #tpu.memory_space<vmem>>
      tpu.wait_dma2 semaphore(%run_scoped3A : memref<!tpu.dma_semaphore, #tpu.memory_space<semaphore_mem>>) src(%dma_wait3A_69 : memref<128xi32, #tpu.memory_space<vmem>>) dst(%dma_wait3A_67 : memref<128xi32, #tpu.memory_space<hbm>>)
      tpu.yield
    }) : () -> ()
    "tpu.region"() ({
      %run_scoped3A = tpu.sem_alloc : memref<!tpu.dma_semaphore, #tpu.memory_space<semaphore_mem>>
      %dma_start3A_58 = arith.constant 128 : i32
      %dma_start3A_59 = tpu.memref_slice %arg16[%dma_start3A_58] : memref<256xi32, #tpu.memory_space<vmem>> -> memref<128xi32, #tpu.memory_space<vmem>>
      %dma_start3A_60 = tpu.memref_slice %arg5[%sub3A_57] : memref<8192xi32, #tpu.memory_space<hbm>> -> memref<128xi32, #tpu.memory_space<hbm>>
      %dma_start3A_61 = tpu.memref_slice %arg5[%sub3A_57] : memref<8192xi32, #tpu.memory_space<hbm>> -> memref<128xi32, #tpu.memory_space<hbm>>
      %dma_start3A_62 = arith.constant 128 : i32
      %dma_start3A_63 = tpu.memref_slice %arg16[%dma_start3A_62] : memref<256xi32, #tpu.memory_space<vmem>> -> memref<128xi32, #tpu.memory_space<vmem>>
      tpu.enqueue_dma source(%dma_start3A_63 : memref<128xi32, #tpu.memory_space<vmem>>) target(%dma_start3A_61 : memref<128xi32, #tpu.memory_space<hbm>>) target_semaphore(%run_scoped3A : memref<!tpu.dma_semaphore, #tpu.memory_space<semaphore_mem>>)
      %dma_wait3A_64 = arith.constant 128 : i32
      %dma_wait3A_65 = tpu.memref_slice %arg16[%dma_wait3A_64] : memref<256xi32, #tpu.memory_space<vmem>> -> memref<128xi32, #tpu.memory_space<vmem>>
      %dma_wait3A_66 = tpu.memref_slice %arg5[%sub3A_57] : memref<8192xi32, #tpu.memory_space<hbm>> -> memref<128xi32, #tpu.memory_space<hbm>>
      %dma_wait3A_67 = tpu.memref_slice %arg5[%sub3A_57] : memref<8192xi32, #tpu.memory_space<hbm>> -> memref<128xi32, #tpu.memory_space<hbm>>
      %dma_wait3A_68 = arith.constant 128 : i32
      %dma_wait3A_69 = tpu.memref_slice %arg16[%dma_wait3A_68] : memref<256xi32, #tpu.memory_space<vmem>> -> memref<128xi32, #tpu.memory_space<vmem>>
      tpu.wait_dma2 semaphore(%run_scoped3A : memref<!tpu.dma_semaphore, #tpu.memory_space<semaphore_mem>>) src(%dma_wait3A_69 : memref<128xi32, #tpu.memory_space<vmem>>) dst(%dma_wait3A_67 : memref<128xi32, #tpu.memory_space<hbm>>)
      tpu.yield
    }) : () -> ()
    return
  }
}

module attributes {stable_mosaic.version = 14 : i64} {
  func.func @_mask_body(%arg0: i32, %arg1: memref<256x4096xf32, #tpu.memory_space<vmem>>, %arg2: memref<256x8xi32, #tpu.memory_space<vmem>>, %arg3: memref<256x8xi32, #tpu.memory_space<vmem>>, %arg4: memref<256x4096xi32, #tpu.memory_space<vmem>>) attributes {dimension_semantics = [#tpu.dimension_semantics<arbitrary>], iteration_bounds = array<i64: 32>, scalar_prefetch = 0 : i64, scratch_operands = 0 : i64, tpu.core_type = #tpu.core_type<tc>, window_params = [{transform_indices = @transform_0, window_bounds = array<i64: 256, 4096>}, {transform_indices = @transform_1, window_bounds = array<i64: 256, 8>}, {transform_indices = @transform_2, window_bounds = array<i64: 256, 8>}, {transform_indices = @transform_3, window_bounds = array<i64: 256, 4096>}]} {
    %get3A = arith.constant 0 : index
    %get3A_0 = arith.constant 0 : index
    %get3A_1 = vector.load %arg1[%get3A, %get3A_0] : memref<256x4096xf32, #tpu.memory_space<vmem>>, vector<256x4096xf32>
    %bitcast_convert_type3A = tpu.bitcast %get3A_1 : vector<256x4096xf32> -> vector<256x4096xi32>
    %ge3A = arith.constant 0 : i32
    %ge3A_2 = vector.broadcast %ge3A : i32 to vector<256x4096xi32>
    %ge3A_3 = arith.cmpi sge, %bitcast_convert_type3A, %ge3A_2 : vector<256x4096xi32>
    %sub3A = arith.constant -2147483648 : i32
    %sub3A_4 = vector.broadcast %sub3A : i32 to vector<256x4096xi32>
    %sub3A_5 = arith.subi %sub3A_4, %bitcast_convert_type3A : vector<256x4096xi32>
    %select_n3A = arith.select %ge3A_3, %bitcast_convert_type3A, %sub3A_5 : vector<256x4096xi1>, vector<256x4096xi32>
    %iota3A = tpu.iota {dimensions = array<i32: 1>} : vector<256x4096xi32>
    %mul3A = arith.constant 256 : i32
    %mul3A_6 = arith.muli %arg0, %mul3A : i32
    %jit3A = arith.constant 4096 : i32
    %eq3A = arith.constant 0 : i32
    %eq3A_7 = arith.cmpi eq, %jit3A, %eq3A : i32
    %jit3A_8 = arith.constant 1 : i32
    %select_n3A_9 = arith.select %eq3A_7, %jit3A_8, %jit3A : i32
    %rem3A = arith.remsi %mul3A_6, %select_n3A_9 : i32
    %ne3A = arith.constant 0 : i32
    %ne3A_10 = arith.cmpi ne, %rem3A, %ne3A : i32
    %lt3A = arith.constant 0 : i32
    %lt3A_11 = arith.cmpi slt, %rem3A, %lt3A : i32
    %lt3A_12 = arith.constant 0 : i32
    %lt3A_13 = arith.cmpi slt, %select_n3A_9, %lt3A_12 : i32
    %ne3A_14 = arith.xori %lt3A_11, %lt3A_13 : i1
    %and3A = arith.andi %ne3A_14, %ne3A_10 : i1
    %add3A = arith.addi %rem3A, %select_n3A_9 : i32
    %select_n3A_15 = arith.select %and3A, %add3A, %rem3A : i32
    %iota3A_16 = tpu.iota {dimensions = array<i32: 0>} : vector<256x4096xi32>
    %add3A_17 = vector.broadcast %select_n3A_15 : i32 to vector<256x4096xi32>
    %add3A_18 = arith.addi %iota3A_16, %add3A_17 : vector<256x4096xi32>
    %gt3A = arith.cmpi sgt, %iota3A, %add3A_18 : vector<256x4096xi32>
    %jit3A_19 = arith.constant -2147483648 : i32
    %broadcast_in_dim3A = vector.broadcast %jit3A_19 : i32 to vector<256x4096xi32>
    %select_n3A_20 = arith.select %gt3A, %broadcast_in_dim3A, %select_n3A : vector<256x4096xi1>, vector<256x4096xi32>
    %get3A_21 = arith.constant 0 : index
    %get3A_22 = arith.constant 0 : index
    %get3A_23 = vector.load %arg2[%get3A_21, %get3A_22] : memref<256x8xi32, #tpu.memory_space<vmem>>, vector<256x1xi32>
    %broadcast_in_dim3A_24 = vector.shape_cast %get3A_23 : vector<256x1xi32> to vector<256x1xi32>
    %broadcast_in_dim3A_25 = vector.broadcast %broadcast_in_dim3A_24 : vector<256x1xi32> to vector<256x4096xi32>
    %get3A_26 = arith.constant 0 : index
    %get3A_27 = arith.constant 0 : index
    %get3A_28 = vector.load %arg3[%get3A_26, %get3A_27] : memref<256x8xi32, #tpu.memory_space<vmem>>, vector<256x1xi32>
    %broadcast_in_dim3A_29 = vector.shape_cast %get3A_28 : vector<256x1xi32> to vector<256x1xi32>
    %broadcast_in_dim3A_30 = vector.broadcast %broadcast_in_dim3A_29 : vector<256x1xi32> to vector<256x4096xi32>
    %gt3A_31 = arith.cmpi sgt, %select_n3A_20, %broadcast_in_dim3A_25 : vector<256x4096xi32>
    %eq3A_32 = arith.cmpi eq, %select_n3A_20, %broadcast_in_dim3A_25 : vector<256x4096xi32>
    %le3A = arith.cmpi sle, %iota3A, %broadcast_in_dim3A_30 : vector<256x4096xi32>
    %and3A_33 = arith.andi %eq3A_32, %le3A : vector<256x4096xi1>
    %or3A = arith.ori %gt3A_31, %and3A_33 : vector<256x4096xi1>
    %swap3A = arith.constant 0 : index
    %swap3A_34 = arith.constant 0 : index
    %swap3A_35 = vector.load %arg4[%swap3A, %swap3A_34] : memref<256x4096xi32, #tpu.memory_space<vmem>>, vector<256x4096xi32>
    %swap3A_36 = arith.extui %or3A : vector<256x4096xi1> to vector<256x4096xi32>
    %swap3A_37 = arith.constant dense<0> : vector<256x4096xi32>
    %swap3A_38 = arith.cmpi ne, %swap3A_35, %swap3A_37 : vector<256x4096xi32>
    tpu.vector_store %arg4[%swap3A, %swap3A_34], %swap3A_36 {strides = array<i32>} : memref<256x4096xi32, #tpu.memory_space<vmem>>, vector<256x4096xi32>,
    return
  }
  func.func @transform_0(%arg0: i32) -> (i32, i32) {
    %c0_i32 = arith.constant 0 : i32
    %c0_i32_0 = arith.constant 0 : i32
    return %arg0, %c0_i32 : i32, i32
  }
  func.func @transform_1(%arg0: i32) -> (i32, i32) {
    %c0_i32 = arith.constant 0 : i32
    %c0_i32_0 = arith.constant 0 : i32
    return %arg0, %c0_i32 : i32, i32
  }
  func.func @transform_2(%arg0: i32) -> (i32, i32) {
    %c0_i32 = arith.constant 0 : i32
    %c0_i32_0 = arith.constant 0 : i32
    return %arg0, %c0_i32 : i32, i32
  }
  func.func @transform_3(%arg0: i32) -> (i32, i32) {
    %c0_i32 = arith.constant 0 : i32
    %c0_i32_0 = arith.constant 0 : i32
    return %arg0, %c0_i32 : i32, i32
  }
}

</mosaic_0001>

<sc_bundles>
// kernel: kernel.4.cloned.1.call-start
scs
__scs_entry_jumppad:
0x0: {  	(pc) =	sbr.rel $0x88, $3  }
0x1: {  	(tag) =	ssettag $0x0;
	lr =	simm.s32 $0x1  }
0x2: {  	[smem:$0x3FA0] =	sst lr;
	_ =	strace $0xD0000000  }
0x3: {  	_ = 	snop  }
0x4: {  	_ = 	snop  }
0x5: {  	_ = 	snop  }
0x6: {  	_ = 	snop  }
0x7: {  	_ = 	snop  }
__scs_overlays_trampoline_lowered:
0x8: {  	[smem:$0x3FAF] =	sst s0  }
0x9: {  	[smem:$0x3FB0] =	sst s1  }
0xa: {  	[smem:$0x3FB1] =	sst s2  }
0xb: {  	[smem:$0x3FB2] =	sst s3  }
0xc: {  	[smem:$0x3FB3] =	sst s4  }
0xd: {  	[smem:$0x3FB4] =	sst s5  }
0xe: {  	[smem:$0x3FB5] =	sst s6  }
0xf: {  	[smem:$0x3FB6] =	sst s7  }
0x10: {  	[smem:$0x3FB7] =	sst s8  }
0x11: {  	[smem:$0x3FB8] =	sst s9;
	s0 =	simm.s32 @!p0 $0x0  }
0x12: {  	s1 =	sld [smem:$0x3F9E];
	s0 =	simm.s32 @p0 $0x1  }
0x13: {  	[smem:$0x3FB9] =	sst s0;
	s0 =	simm.s32 @!p1 $0x0  }
0x14: {  	s2 =	sld [smem:$0x3F9D];
	s0 =	simm.s32 @p1 $0x1  }
0x15: {  	[smem:$0x3FBA] =	sst s0;
	s0 =	simm.s32 @!p2 $0x0  }
0x16: {  	s3 =	sld [smem:$0x3FDB];
	s0 =	simm.s32 @p2 $0x1  }
0x17: {  	s4 =	simm.s32 $0x1BF5;
	[smem:$0x3FBC] =	sst s0  }
0x18: {  	s0 =	sld [smem:$0x3F9F];
	_ =	swait.ge [sflag:s4], $0x0  }
0x19: {  	s7 =	sld [smem:$0x3FA0]  }
0x1a: {  	s8 =	sadd.s32 $0xFFFFE003, lr  }
0x1b: {  	s9 =	sadd.s32 $0xFFFFFEF7, lr;
	s5 =	simm.s32 $0xFFFFFFFF;
	p2 =	slt.u32 s8, $0xFFFFF086  }
0x1c: {  	p1 =	slt.u32 s9, $0xF7A;
	s5 =	simm.s32 @!p2 $0x0  }
0x1d: {  	s5 =	simm.s32 @p1 $0x1;
	p0 =	seq.s32 s7, s2  }
0x1e: {  	s7 =	smul.u32 @!p0 $0xF7A, s2;
	p2 =	seq.s32 @!p0 s5, $0x0  }
0x1f: {  	s9 =	smul.u32 $0xF7A, s1;
	s8 =	simm.s32 @!p0 $0x1BF5;
	p2 =	por !p2, p0  }
0x20: {  	[sflag:s8] =	ssyncset.s32 @!p0 $0xFFFFF086;
	s6 =	sadd.s32 @!p0 s3, s7;
	s7 =	simm.s32 @!p0 $0x108  }
0x21: {  	s3 =	sadd.s32 s3, s9;
	s6 =	sadd.s32 @!p0 $0x88, s6;
	s7 =	simm.s32 @p2 $0x1082  }
0x22: {  	[simem:s7], [sflag:s8] =	dma.local @!p0 [hbm:s6], $0xF7A  }
0x23: {  	s9 =	sor.u32 $0xD0000000, s2;
	s6 =	simm.s32 $0x108;
	_ =	swait.ge @!p0 [sflag:s8], $0x0  }
0x24: {  	s3 =	sadd.s32 $0x88, s3;
	s6 =	simm.s32 @!p1 $0x1082;
	[sflag:s4] =	ssyncset.s32 $0xFFFFF086  }
0x25: {  	[simem:s6], [sflag:s4] =	dma.local [hbm:s3], $0xF7A  }
0x26: {  	[smem:$0x3FA0] =	sst s1;
	(tag) =	ssettag s2;
	_ =	strace s9  }
0x27: {  	s1 =	sld [smem:$0x3FB0]  }
0x28: {  	s2 =	sld [smem:$0x3FB1]  }
0x29: {  	s4 =	sld [smem:$0x3FB3]  }
0x2a: {  	p0 =	seq.s32 s5, $0x0;
	s5 =	sld [smem:$0x3FB4]  }
0x2b: {  	s6 =	sld [smem:$0x3FB5]  }
0x2c: {  	s7 =	sld [smem:$0x3FB6]  }
0x2d: {  	s3 =	simm.s32 $0x108;
	s8 =	sld [smem:$0x3FB7]  }
0x2e: {  	s3 =	simm.s32 @!p0 $0x1082;
	s9 =	sld [smem:$0x3FB8]  }
0x2f: {  	lr =	sadd.s32 s0, s3;
	s0 =	sld [smem:$0x3FAF]  }
0x30: {  	s3 =	sld [smem:$0x3FB2]  }
0x31: {  	[smem:$0x3FBB] =	sst s10  }
0x32: {  	s10 =	sld [smem:$0x3FB9];
	_ =	sdelay $0x3  }
0x33: {  	p0 =	seq.s32 s10, $0x1;
	s10 =	sld [smem:$0x3FBB];
	_ =	sdelay $0x3  }
0x34: {  	[smem:$0x3FBB] =	sst s10  }
0x35: {  	s10 =	sld [smem:$0x3FBA];
	_ =	sdelay $0x3  }
0x36: {  	p1 =	seq.s32 s10, $0x1;
	s10 =	sld [smem:$0x3FBB];
	_ =	sdelay $0x3  }
0x37: {  	[smem:$0x3FBB] =	sst s10  }
0x38: {  	s10 =	sld [smem:$0x3FBC]  }
0x39: {  	_ = 	snop;
	(pc) =	sbr.ind lr, $3  }
0x3a: {  	_ = 	snop  }
0x3b: {  	_ = 	snop  }
0x3c: {  	p2 =	seq.s32 s10, $0x1;
	s10 =	sld [smem:$0x3FBB]  }
0x3d: {  	_ =	shalt  }
0x3e: {  	_ =	shalt  }
0x3f: {  	_ =	shalt  }
0x40: {  	_ =	shalt  }
0x41: {  	_ =	shalt  }
0x42: {  	_ =	shalt  }
0x43: {  	_ =	shalt  }
0x44: {  	_ =	shalt  }
0x45: {  	_ =	shalt  }
0x46: {  	_ =	shalt  }
0x47: {  	_ =	shalt  }
0x48: {  	_ =	shalt  }
0x49: {  	_ =	shalt  }
0x4a: {  	_ =	shalt  }
0x4b: {  	_ =	shalt  }
0x4c: {  	_ =	shalt  }
0x4d: {  	_ =	shalt  }
0x4e: {  	_ =	shalt  }
0x4f: {  	_ =	shalt  }
0x50: {  	_ =	shalt  }
0x51: {  	_ =	shalt  }
0x52: {  	_ =	shalt  }
0x53: {  	_ =	shalt  }
0x54: {  	_ =	shalt  }
0x55: {  	_ =	shalt  }
0x56: {  	_ =	shalt  }
0x57: {  	_ =	shalt  }
0x58: {  	_ =	shalt  }
0x59: {  	_ =	shalt  }
0x5a: {  	_ =	shalt  }
0x5b: {  	_ =	shalt  }
0x5c: {  	_ =	shalt  }
0x5d: {  	_ =	shalt  }
0x5e: {  	_ =	shalt  }
0x5f: {  	_ =	shalt  }
0x60: {  	_ =	shalt  }
0x61: {  	_ =	shalt  }
0x62: {  	_ =	shalt  }
0x63: {  	_ =	shalt  }
0x64: {  	_ =	shalt  }
0x65: {  	_ =	shalt  }
0x66: {  	_ =	shalt  }
0x67: {  	_ =	shalt  }
0x68: {  	_ =	shalt  }
0x69: {  	_ =	shalt  }
0x6a: {  	_ =	shalt  }
0x6b: {  	_ =	shalt  }
0x6c: {  	_ =	shalt  }
0x6d: {  	_ =	shalt  }
0x6e: {  	_ =	shalt  }
0x6f: {  	_ =	shalt  }
0x70: {  	_ =	shalt  }
0x71: {  	_ =	shalt  }
0x72: {  	_ =	shalt  }
0x73: {  	_ =	shalt  }
0x74: {  	_ =	shalt  }
0x75: {  	_ =	shalt  }
0x76: {  	_ =	shalt  }
0x77: {  	_ =	shalt  }
0x78: {  	_ =	shalt  }
0x79: {  	_ =	shalt  }
0x7a: {  	_ =	shalt  }
0x7b: {  	_ =	shalt  }
0x7c: {  	_ =	shalt  }
0x7d: {  	_ =	shalt  }
0x7e: {  	_ =	shalt  }
0x7f: {  	_ =	shalt  }
0x80: {  	_ =	shalt  }
0x81: {  	_ =	shalt  }
0x82: {  	_ =	shalt  }
0x83: {  	_ =	shalt  }
0x84: {  	_ =	shalt  }
0x85: {  	_ =	shalt  }
0x86: {  	_ =	shalt  }
0x87: {  	_ =	shalt  }
.Lfunc_end0:
.L_simem_size_0:
called_computation_lowered:
.L_overlay_start_0:
0x88: {  	s2 =	sld [smem:$0x3FD9]  }
0x89: {  	s3 =	sld [smem:$0x3FFE];
	_ =	sdelay $0x1  }
0x8a: {  	s1 =	srdreg.scid  }
0x8b: {  	s0 =	sand.u32 $0x1, s1  }
0x8c: {  	s14 =	sshll.u32 s0, $0xA;
	s2 =	sadd.s32 s3, s2  }
0x8d: {  	s2 =	sadd.s32 s2, s14  }
0x8e: {  	[smem:$0x3FC7] =	sst s2  }
0x8f: {  	_ = 	snop  }
0x90: {  	s2 =	sld [smem:$0x3FD0];
	_ =	sdelay $0x2  }
0x91: {  	s4 =	simm.s32 $0xA;
	s5 =	simm.s32 $0x10;
	s15 =	sld [smem:$0x3FC9]  }
0x92: {  	[smem:s5], [sflag:s4] =	dma.local [hbm:s2], $0x1  }
0x93: {  	_ =	swait.eq [sflag:s4], $0x1  }
0x94: {  	[sflag:s4] =	ssyncset.done $0x0  }
0x95: {  	s16 =	sld [smem:$0x10];
	[sflag:s4] =	ssyncadd.s32 $0xFFFFFFFF  }
0x96: {  	s17 =	sld [smem:$0x11];
	(tm) =	ssettm $0x1  }
0x97: {  	s18 =	sld [smem:$0x3FFB];
	_ =	sdelay $0x3  }
0x98: {  	_ =	strace s18  }
0x99: {  	s5 =	sld [smem:$0x3FFC];
	_ =	sdelay $0x3  }
0x9a: {  	_ =	strace s5  }
0x9b: {  	s5 =	sld [smem:$0x3FFD];
	_ =	sdelay $0x3  }
0x9c: {  	_ =	strace s5  }
0x9d: {  	_ =	strace $0x8FFFFFFF  }
0x9e: {  	s19 =	sld [smem:$0x3FDB];
	_ =	sdelay $0x1  }
0x9f: {  	s6 =	simm.s32 $_scs_section_size  }
0xa0: {  	s7 =	simm.s32 $_size__tile_overlayer_lowered;
	s8 =	simm.s32 $_tile_overlayer_lowered  }
0xa1: {  	s22 =	simm.s32 $0x1BFF;
	s21 =	sshll.u32 s8, $0x1;
	s5 =	sadd.s32 s6, s19  }
0xa2: {  	s9 =	simm.s32 $0x0;
	s20 =	sshll.u32 s7, $0x1;
	s7 =	sadd.s32 s21, s5  }
0xa3: {  	[timem:s9], [sflag:s22] =	dma.local [hbm:s7], s20  }
0xa4: {  	_ =	swait.ge [sflag:s22], s20  }
0xa5: {  	s6 =	ssub.s32 $0x0, s20;
	[sflag:s22] =	ssyncset.done $0x0  }
0xa6: {  	[sflag:s22] =	ssyncadd.s32 s6;
	_ =	sdelay $0x1  }
0xa7: {  	s23 =	simm.s32 $0x1B8B  }
0xa8: {  	_ =	swait.ge [sflag:s23], $0x1  }
0xa9: {  	[sflag:s23] =	ssyncset.done $0x0  }
0xaa: {  	s25 =	simm.s32 $0x1B8E;
	s24 =	sld [smem:$0x3FFE];
	[sflag:s23] =	ssyncadd.s32 $0xFFFFFFFF  }
0xab: {  	s26 =	simm.s32 $execute0_lowered;
	[smem:$0x3FD2] =	sst s25  }
0xac: {  	s7 =	sshll.u32 s26, $0x1;
	_ =	strace $0x80000046;
	[dreg:$0x1] =	wrdreg $0xFFFFFFFF  }
0xad: {  	s28 =	simm.s32 $_size_execute0_lowered;
	s5 =	sadd.s32 s5, s7;
	[dreg:$0x0] =	wrdreg $0x0  }
0xae: {  	s7 =	sshll.u32 s28, $0x1;
	[dreg:$0x2] =	wrdreg s5  }
0xaf: {  	[dreg:$0x3] =	wrdreg s7  }
0xb0: {  	[dreg:$0x4] =	wrdreg $0xC0  }
0xb1: {  	_ =	task [dreg:s9], $0x5FFFF  }
0xb2: {  	[dreg:$0x1] =	wrdreg $0xFFFFFFFF  }
0xb3: {  	[dreg:$0x0] =	wrdreg $0x60  }
0xb4: {  	[dreg:$0x2] =	wrdreg s15  }
0xb5: {  	[dreg:$0x3] =	wrdreg s17  }
0xb6: {  	[dreg:$0x4] =	wrdreg s16  }
0xb7: {  	[dreg:$0x5] =	wrdreg s24  }
0xb8: {  	[dreg:$0x6] =	wrdreg $0x9  }
0xb9: {  	_ =	task.clear_ibuf [dreg:s9], $0x7FFFF;
	_ =	strace $0x90000046  }
0xba: {  	s29 =	simm.s32 $0x9;
	_ =	strace $0x80000048  }
0xbb: {  	_ =	swait.ge [sflag:s29], $0x1  }
0xbc: {  	[sflag:s29] =	ssyncadd.s32 $0xFFFFFFFF  }
0xbd: {  	_ =	strace $0x90000048  }
0xbe: {  	_ =	sfence  }
0xbf: {  	s30 =	sld [smem:$0x0];
	_ =	sdelay $0x2  }
0xc0: {  	s31 =	sshll.u32 s1, $0xD;
	s1 =	sshrl.u32 s1, $0x2  }
0xc1: {  	s3 =	sand.u32 $0x4000, s31;
	s1 =	sadd.s32 s1, s30  }
0xc2: {  	s0 =	sor.u32 s3, s0;
	s1 =	sshll.u32 s1, $0x11  }
0xc3: {  	s0 =	sor.u32 s1, s0  }
0xc4: {  	s0 =	sadd.s32 $0x8F2B, s0  }
0xc5: {  	[sflag:s0] =	ssyncadd.remote.s32 $0x1  }
0xc6: {  	_ =	sfence.sel $0xFFFF  }
0xc7: {  	[dreg:$0x0] =	wrdreg $0xFFFFFFFF;
	(pc) =	sbr.abs _section_cstart, $3  }
0xc8: {  	[dreg:$0x1] =	wrdreg $0xFFFFFFFF  }
0xc9: {  	_ =	task.clear_ibuf [dreg:s9], $0x2FFFF;
	_ =	strace $0x9FFFFFFF  }
0xca: {  	(tm) =	ssettm $0x7FFFFFFF  }
0xcb: {  	_ =	shalt  }
tec
execute0_lowered:
.L_overlay_start_1:
0x0: {  	(tag) =	ssettag $0x1  }
0x1: {  	s1 =	rddreg [dreg:$0x0]  }
0x2: {  	s2 =	rddreg [dreg:$0x1]  }
0x3: {  	s0 =	rddreg [dreg:$0x2]  }
0x4: {  	s3 =	rddreg [dreg:$0x3]  }
0x5: {  	s5 =	srdreg.scid;
	s4 =	simm.s32 $0x0;
	s8 =	stileid.u32  }
0x6: {  	s14 =	simm.s32 $0x80;
	s15 =	simm.s32 $0x400;
	s16 =	simm.s32 $0x3000  }
0x7: {  	s18 =	simm.s32 $0x1;
	s19 =	simm.s32 $0x7000;
	s20 =	simm.s32 $0x4000  }
0x8: {  	s21 =	simm.s32 $0x5000;
	s22 =	simm.s32 $0x7100;
	s23 =	simm.s32 $0x3  }
0x9: {  	s24 =	simm.s32 $0x2000;
	s28 =	simm.s32 $0x2;
	s5 =	sand.u32 $0x1, s5  }
0xa: {  	[smem:$0x7FF] =	sst s4;
	s8 =	sshll.u32 s8, $0x1;
	s3 =	sadd.s32 $0x800, s3  }
0xb: {  	s6 =	ssub.s32 $0x2, s5;
	_ =	strace $0x80000047;
	s25 =	sor.u32 s5, s8  }
0xc: {  	s7 =	sshrl.u32 s6, $0x1;
	s5 =	sshll.u32 s25, $0x7;
	s8 =	sshll.u32 s25, $0x10  }
0xd: {  	s9 =	sshll.u32 s25, $0xF;
	s6 =	ssub.s32 s6, s7;
	s8 =	sadd.s32 s1, s8  }
0xe: {  	s26 =	sadd.s32 s2, s9;
	s7 =	sshll.u32 s25, $0x4;
	[dreg:$0x5] =	wrdreg s8  }
0xf: {  	s29 =	sshrl.u32 s5, $0x3;
	[dreg:$0x6] =	wrdreg s26;
	s10 =	sadd.s32 s0, s7  }
.Ltmp0:
0x10: {  	s7 =	sadd.s32 s3, s7;
	[dreg:$0x7] =	wrdreg s10;
	(pc) =	sbr.rel .LBB2_1-.Ltmp0, $4  }
0x11: {  	s9 =	sxor.u32 $0x3F0, s29;
	s31 =	smax.u32 s6, $0x1;
	[dreg:$0x8] =	wrdreg s7  }
0x12: {  	s25 =	simm.s32 $0x7200;
	s0 =	sadd.s32 s0, s9;
	[dreg:$0xb] =	wrdreg s31  }
0x13: {  	s8 =	sor.u32 $0x2, s5;
	s30 =	sadd.s32 s3, s9;
	[dreg:$0x9] =	wrdreg s0  }
0x14: {  	v0 =	vimm.s32 $0x0;
	v1 =	vimm.s32 $0x1;
	v2 =	vlaneseq.u32;
	s26 =	simm.s32 $0x7300;
	s6 =	simm.s32 $0x0;
	[dreg:$0xa] =	wrdreg s30  }
.LBB2_75:
0x15: {  	_ =	swait.ge [sflag:s23], $0x800  }
0x16: {  	[sflag:s23] =	ssyncset.done $0x0  }
0x17: {  	[sflag:s23] =	ssyncadd.s32 $0xFFFFF800  }
0x18: {  	_ =	swait.ge [sflag:s18], $0x1000  }
0x19: {  	[sflag:s18] =	ssyncset.done $0x0  }
0x1a: {  	s3 =	simm.s32 $0x4;
	s0 =	rddreg [dreg:$0x7];
	[sflag:s18] =	ssyncadd.s32 $0xFFFFF000  }
0x1b: {  	[hbm4b:s0+s4] =	stream.linear.scatter [tilespmem:s25], [sflag:$0x4], $0x80, $0x38;
	[tilespmem:$0x7400] =	vst v63  }
0x1c: {  	_ =	swait.ge [sflag:s3], $0x80  }
0x1d: {  	[sflag:s3] =	ssyncset.done $0x0  }
0x1e: {  	s12 =	rddreg [dreg:$0x8];
	[sflag:s3] =	ssyncadd.s32 $0xFFFFFF80  }
0x1f: {  	[hbm4b:s12+s4] =	stream.linear.scatter [tilespmem:s26], [sflag:$0x4], $0x80, $0x38;
	[tilespmem:$0x7400] =	vst v63  }
0x20: {  	_ =	swait.ge [sflag:s3], $0x80  }
0x21: {  	[sflag:s3] =	ssyncset.done $0x0  }
0x22: {  	s6 =	simm.s32 $0x7280;
	s13 =	rddreg [dreg:$0x9];
	[sflag:s3] =	ssyncadd.s32 $0xFFFFFF80  }
0x23: {  	[hbm4b:s13+s4] =	stream.linear.scatter [tilespmem:s6], [sflag:$0x4], $0x80, $0x38;
	[tilespmem:$0x7400] =	vst v63  }
0x24: {  	_ =	swait.ge [sflag:s3], $0x80  }
0x25: {  	[sflag:s3] =	ssyncset.done $0x0  }
0x26: {  	s29 =	simm.s32 $0x7380;
	s17 =	rddreg [dreg:$0xa];
	[sflag:s3] =	ssyncadd.s32 $0xFFFFFF80  }
0x27: {  	[hbm4b:s17+s4] =	stream.linear.scatter [tilespmem:s29], [sflag:$0x4], $0x80, $0x38;
	[tilespmem:$0x7400] =	vst v63  }
0x28: {  	_ =	swait.ge [sflag:s3], $0x80  }
0x29: {  	s30 =	rddreg [dreg:$0xc]  }
0x2a: {  	s31 =	rddreg [dreg:$0xb];
	s6 =	sadd.s32 $0x1, s30  }
0x2b: {  	p0 =	sne.s32 s6, s31  }
.Ltmp1:
0x2c: {  	_ = 	snop;
	(pc) =	sbr.rel @!p0 .LBB2_76-.Ltmp1, $3  }
0x2d: {  	_ =	sdelay $0x1  }
0x2e: {  	[sflag:s3] =	ssyncset.done $0x0  }
0x2f: {  	[sflag:s3] =	ssyncadd.s32 $0xFFFFFF80  }
.LBB2_1:
.Ltmp2:
0x30: {  	[dreg:$0xc] =	wrdreg s6;
	(pc) =	sbr.rel .LBB2_2-.Ltmp2, $4  }
0x31: {  	s0 =	rddreg [dreg:$0x5]  }
0x32: {  	[tilespmem:s4], [sflag:$0x1] =	stream.strided.gather [hbm4b:s0+s14], $0x1000, s15, s14, $0x38;
	[tilespmem:$0x7400] =	vst v63  }
0x33: {  	s30 =	rddreg [dreg:$0x6];
	s31 =	simm.s32 $0x0  }
0x34: {  	[hbm4b:s30+s14] =	stream.strided.scatter [tilespmem:s16], [sflag:$0x3], $0x800, s15, s14, $0x38;
	[tilespmem:$0x7400] =	vst v63  }
.LBB2_74:
0x35: {  	v3 =	vld [tilespmem:$0x37F0];
	_ =	sdelay $0x4  }
0x36: {  	(v2sf) =	vpush v3, $0xF;
	_ =	sdelay $0xe  }
0x37: {  	p1 =	sgt.s32 s10, $0x7F;
	s3 =	spop (v2sf)  }
0x38: {  	s3 =	simm.s32 @!p1 $0x7FF  }
0x39: {  	v3 =	vmov s3;
	_ =	sdelay $0x3  }
0x3a: {  	s29 =	simm.s32 $0x6000  }
0x3b: {  	v4 =	vld.idx.msk [tilespmem:v3+s29+$0x0], $0xffff;
	_ =	sdelay $0x4  }
0x3c: {  	(v2sf) =	vpush v4, $0xF;
	_ =	sdelay $0xb  }
0x3d: {  	s0 =	ssub.s32 $0x17E, s0  }
0x3e: {  	s0 =	smov.u32 @p0 s6  }
0x3f: {  	v63 =	vmov s0  }
0x40: {  	s31 =	sadd.s32 $0x1, s31;
	s30 =	spop (v2sf)  }
0x41: {  	p0 =	sne.s32 s31, $0x80;
	s0 =	sxor.u32 $0x7FFFFFFF, s30  }
.Ltmp3:
0x42: {  	s0 =	simm.s32 @!p1 $0x80000000;
	(pc) =	sbr.rel @!p0 .LBB2_75-.Ltmp3, $4  }
0x43: {  	v5 =	vmov s0  }
0x44: {  	[tilespmem:v63+s25+$0x0] =	vst.idx.msk $0xffff, v5  }
0x45: {  	[tilespmem:v63+s26+$0x0] =	vst.idx.msk $0xffff, v3  }
0x46: {  	[hbm4b:s7+s14] =	stream.strided.scatter [tilespmem:s16], [sflag:$0x3], $0x800, s15, s14, $0x38;
	[tilespmem:$0x7400] =	vst v63  }
.LBB2_2:
0x47: {  	s0 =	sshll.u32 s31, $0x1  }
0x48: {  	s6 =	sshllo.u32 s31, $0x1;
	s3 =	sadd.s32 s0, s5  }
0x49: {  	p0 =	slt.u32 s31, $0x40;
	s9 =	sadd.s32 s5, s6;
	s7 =	ssub.s32 $0x207E, s3  }
0x4a: {  	s7 =	smov.u32 @p0 s9  }
0x4b: {  	s9 =	sshll.u32 s7, $0xC;
	s10 =	sshll.u32 s7, $0x7  }
0x4c: {  	s11 =	sand.u32 $0xFFFF8000, s9;
	s9 =	sand.u32 $0x380, s10  }
0x4d: {  	s10 =	sor.u32 s9, s11  }
0x4e: {  	s12 =	ssub.s32 $0x207F, s3;
	s10 =	sshrl.u32 s10, $0x3  }
0x4f: {  	s17 =	simm.s32 $0x1000;
	s12 =	smov.u32 @p0 s3;
	s10 =	sadd.s32 s1, s10  }
0x50: {  	[tilespmem:s17], [sflag:$0x2] =	stream.strided.gather [hbm4b:s10+s14], $0x1000, s15, s14, $0x38;
	[tilespmem:$0x7400] =	vst v63  }
0x51: {  	s3 =	sshra.s32 s12, $0x1F;
	_ =	swait.ge [sflag:s18], $0x1000  }
0x52: {  	s3 =	sshrl.u32 s3, $0x14;
	[sflag:s18] =	ssyncset.done $0x0  }
0x53: {  	s3 =	sadd.s32 s3, s12;
	[sflag:s18] =	ssyncadd.s32 $0xFFFFF000  }
0x54: {  	s3 =	sand.u32 $0xFFFFF000, s3;
	[tilespmem:$0x7000] =	vst v0  }
0x55: {  	s13 =	ssub.s32 s12, s3;
	[tilespmem:$0x7010] =	vst v0  }
0x56: {  	s3 =	sadd.s32 $0x10, s13;
	[tilespmem:$0x7020] =	vst v0  }
0x57: {  	s29 =	sshll.u32 s3, $0x10;
	[tilespmem:$0x7030] =	vst v0  }
0x58: {  	s30 =	sand.u32 $0xF, s13;
	s10 =	sshra.s32 s29, $0x1F;
	[tilespmem:$0x7040] =	vst v0  }
0x59: {  	p2 =	slt.s32 s13, $0xFFFFFFF1;
	p1 =	sne.s32 s30, $0x0;
	s10 =	sand.u32 $0xF, s10;
	[tilespmem:$0x7050] =	vst v0  }
0x5a: {  	p1 =	por !p2, !p1;
	[tilespmem:$0x7060] =	vst v0;
	s3 =	sadd.s32 s10, s3  }
0x5b: {  	p1 =	por !p1, !p1;
	[tilespmem:$0x7070] =	vst v0;
	s10 =	simm.s32 $0x1;
	s3 =	sshll.u32 s3, $0x10  }
0x5c: {  	[tilespmem:$0x7080] =	vst v0;
	s10 =	simm.s32 @!p1 $0x0;
	s3 =	sshra.s32 s3, $0x14  }
0x5d: {  	[tilespmem:$0x7090] =	vst v0;
	s10 =	ssub.s32 s3, s10  }
0x5e: {  	[tilespmem:$0x70A0] =	vst v0;
	p1 =	slt.s32 s10, $0x2  }
.Ltmp4:
0x5f: {  	[tilespmem:$0x70B0] =	vst v0;
	(pc) =	sbr.rel @p1 .LBB2_9-.Ltmp4, $4  }
0x60: {  	[tilespmem:$0x70C0] =	vst v0  }
0x61: {  	[tilespmem:$0x70D0] =	vst v0  }
0x62: {  	[tilespmem:$0x70E0] =	vst v0  }
0x63: {  	[tilespmem:$0x70F0] =	vst v0;
	s11 =	sadd.s32 $0xFFFFFFFF, s10  }
0x64: {  	p2 =	sne.s32 s11, $0x1  }
.Ltmp5:
0x65: {  	_ = 	snop;
	(pc) =	sbr.rel @!p2 .LBB2_4-.Ltmp5, $3  }
0x66: {  	_ =	sdelay $0x1  }
0x67: {  	s3 =	simm.s32 $0x0  }
0x68: {  	s30 =	simm.s32 $0x6000;
	p1 =	por $0x0, $0x0;
	v3 =	vld [tilespmem:s3+$0x0];
	s3 =	sadd.s32 $0xFFFFFFFF, s11  }
0x69: {  	_ =	sdelay $0x3  }
0x6a: {  	v4 =	vsub.s32 $0x80000000, v3;
	vm0 =	vlt.s32 v3, $0x0  }
0x6b: {  	v3 =	vsel vm0, v4, v3  }
0x6c: {  	v3 =	vxor.u32 $0x7FFFFFFF, v3  }
0x6d: {  	v4 =	vand.u32 $0xFF, v3  }
0x6e: {  	p2 =	sne.s32 s3, $0x1  }
.Ltmp6:
0x6f: {  	_ = 	snop;
	(pc) =	sbr.rel @!p2 .LBB2_6-.Ltmp6, $4  }
0x70: {  	_ = 	snop  }
0x71: {  	[tilespmem:s30+$0x0] =	vst v3  }
0x72: {  	s17 =	simm.s32 $0x10;
	[tilespmem:v4+s19+$0x0] =	vst.idx.add.s32.msk $0xffff, v1  }
0x73: {  	s29 =	sadd.s32 $0xFFFFFFFF, s3;
	p1 =	por $0x1, $0x1;
	s3 =	simm.s32 $0x6000;
	v3 =	vld [tilespmem:s17+$0x0]  }
.LBB2_7:
0x74: {  	p2 =	sne.s32 s29, $0x1;
	_ =	sdelay $0x3  }
0x75: {  	v4 =	vsub.s32 $0x80000000, v3;
	vm0 =	vlt.s32 v3, $0x0  }
0x76: {  	v3 =	vsel vm0, v4, v3  }
0x77: {  	s3 =	sadd.s32 $0x10, s3;
	v3 =	vxor.u32 $0x7FFFFFFF, v3  }
0x78: {  	[tilespmem:s3+$0x0] =	vst v3;
	v3 =	vand.u32 $0xFF, v3;
	_ =	sdelay $0x1  }
.Ltmp7:
0x79: {  	(pc) =	sbr.rel @p2 .LBB2_7-.Ltmp7, $3  }
0x7a: {  	_ =	sdelay $0x1  }
0x7b: {  	s17 =	sadd.s32 $0x10, s17;
	[tilespmem:v3+s19+$0x0] =	vst.idx.add.s32.msk $0xffff, v1  }
0x7c: {  	s29 =	sadd.s32 $0xFFFFFFFF, s29;
	v3 =	vld [tilespmem:s17+$0x0]  }
.LBB2_8:
0x7d: {  	_ =	sdelay $0x3  }
0x7e: {  	v4 =	vsub.s32 $0x80000000, v3;
	vm0 =	vlt.s32 v3, $0x0  }
0x7f: {  	v3 =	vsel vm0, v4, v3  }
0x80: {  	v3 =	vxor.u32 $0x7FFFFFFF, v3  }
0x81: {  	v63 =	vand.u32 $0xFF, v3;
	_ =	sdelay $0x1  }
0x82: {  	s3 =	sadd.s32 @p1 $0x10, s3  }
0x83: {  	s30 =	smov.u32 @p1 s3  }
0x84: {  	[tilespmem:s30+$0x0] =	vst v3  }
0x85: {  	[tilespmem:v63+s19+$0x0] =	vst.idx.add.s32.msk $0xffff, v1  }
.LBB2_9:
0x86: {  	s3 =	sshll.u32 s11, $0x4  }
0x87: {  	v3 =	vld [tilespmem:s3+$0x0];
	_ =	sdelay $0x4  }
0x88: {  	v4 =	vsub.s32 $0x80000000, v3;
	vm0 =	vlt.s32 v3, $0x0  }
0x89: {  	v61 =	vor.u32 s3, v2;
	v3 =	vsel vm0, v4, v3  }
0x8a: {  	vm15 =	vgt.s32 v61, s13;
	v3 =	vxor.u32 $0x7FFFFFFF, v3  }
0x8b: {  	v3 =	vsel vm15, $0xFFFFFFFF, v3  }
0x8c: {  	v62 =	vand.u32 $0xFF, v3;
	_ =	sdelay $0x3  }
0x8d: {  	[tilespmem:s3+$0x6000] =	vst v3  }
0x8e: {  	s29 =	simm.s32 $0x0;
	[tilespmem:v62+s19+$0x0] =	vst.idx.add.s32.msk $0xffff, v1  }
0x8f: {  	v3 =	vld [tilespmem:s29+$0x7000];
	_ =	sdelay $0x4  }
0x90: {  	(xrf0) =	vadd.scan.msk.s32 $0xffff, v3;
	_ =	sdelay $0x5  }
0x91: {  	v63, _, _ =	vpop (xrf0)  }
0x92: {  	s3 =	simm.s32 $0xFFFFFFFF;
	(v2sf) =	vpush v63, $0xF  }
0x93: {  	v3 =	vsub.s32 s3, v3  }
0x94: {  	s17 =	sshll.u32 s12, $0x7;
	v3 =	vadd.s32 v63, v3  }
0x95: {  	s30 =	simm.s32 $0x80;
	s13 =	sand.u32 $0x380, s17;
	s17 =	simm.s32 $0x10;
	[tilespmem:s29+$0x7000] =	vst v3  }
.LBB2_10:
0x96: {  	p1 =	sne.s32 s30, $0x3C0;
	v3 =	vld [tilespmem:s17+$0x7000];
	_ =	sdelay $0x4  }
0x97: {  	(xrf0) =	vadd.scan.msk.s32 $0xffff, v3;
	_ =	sdelay $0x5  }
.Ltmp8:
0x98: {  	v4, _, _ =	vpop (xrf0);
	s29 =	spop (v2sf);
	(pc) =	sbr.rel @p1 .LBB2_10-.Ltmp8, $4  }
0x99: {  	(v2sf) =	vpush v4, $0xF;
	s3 =	sadd.s32 s3, s29  }
0x9a: {  	v3 =	vsub.s32 s3, v3  }
0x9b: {  	v3 =	vadd.s32 v4, v3  }
0x9c: {  	[tilespmem:s17+$0x7000] =	vst v3;
	s17 =	sshra.s32 s30, $0x2;
	s30 =	sadd.s32 $0x40, s30  }
0x9d: {  	_ =	sdelay $0x1  }
0x9e: {  	v3 =	vld [tilespmem:s17+$0x7000];
	_ =	sdelay $0x4  }
0x9f: {  	(xrf0) =	vadd.scan.msk.s32 $0xffff, v3;
	_ =	sdelay $0x3  }
0xa0: {  	s29 =	spop (v2sf)  }
0xa1: {  	s3 =	sadd.s32 s3, s29  }
0xa2: {  	v4, _, _ =	vpop (xrf0);
	v3 =	vsub.s32 s3, v3  }
0xa3: {  	v3 =	vadd.s32 v4, v3  }
0xa4: {  	[tilespmem:s17+$0x7000] =	vst v3  }
0xa5: {  	(v2sf) =	vpush v4, $0xF;
	[tilespmem:$0x7100] =	vst v0  }
0xa6: {  	[tilespmem:$0x7110] =	vst v0  }
0xa7: {  	[tilespmem:$0x7120] =	vst v0  }
0xa8: {  	[tilespmem:$0x7130] =	vst v0  }
0xa9: {  	[tilespmem:$0x7140] =	vst v0  }
0xaa: {  	[tilespmem:$0x7150] =	vst v0  }
0xab: {  	[tilespmem:$0x7160] =	vst v0  }
0xac: {  	[tilespmem:$0x7170] =	vst v0  }
0xad: {  	[tilespmem:$0x7180] =	vst v0  }
0xae: {  	[tilespmem:$0x7190] =	vst v0  }
0xaf: {  	p1 =	slt.s32 s10, $0x1;
	[tilespmem:$0x71A0] =	vst v0  }
.Ltmp9:
0xb0: {  	[tilespmem:$0x71B0] =	vst v0;
	(pc) =	sbr.rel @p1 .LBB2_15-.Ltmp9, $4  }
0xb1: {  	[tilespmem:$0x71C0] =	vst v0  }
0xb2: {  	[tilespmem:$0x71D0] =	vst v0  }
0xb3: {  	[tilespmem:$0x71E0] =	vst v0  }
0xb4: {  	[tilespmem:$0x71F0] =	vst v0;
	s30 =	spop (v2sf)  }
0xb5: {  	s30 =	simm.s32 $0x6000  }
0xb6: {  	v3 =	vld [tilespmem:s30+$0x0];
	_ =	sdelay $0x4  }
0xb7: {  	v4 =	vand.u32 $0xFF, v3  }
0xb8: {  	(xrf1) =	vunique.msk.u32 $0xffff, v4;
	_ =	sdelay $0x9  }
0xb9: {  	v5 =	vld.idx.msk [tilespmem:v4+s19+$0x0], $0xffff;
	_ =	sdelay $0x3  }
0xba: {  	_, v6, _ =	vpop (xrf1)  }
0xbb: {  	v5 =	vadd.s32 v5, v6;
	_ =	sdelay $0x4  }
0xbc: {  	p2 =	sne.s32 s10, $0x1;
	[tilespmem:v5+s20+$0x0] =	vst.idx.msk $0xffff, v3;
	v3 =	vshrl.u32 v3, $0x8  }
.Ltmp10:
0xbd: {  	v3 =	vand.u32 $0xFF, v3;
	(pc) =	sbr.rel @!p2 .LBB2_14-.Ltmp10, $4  }
0xbe: {  	s3 =	simm.s32 $0x0  }
0xbf: {  	v63 =	vor.u32 s3, v2  }
0xc0: {  	[tilespmem:v5+s21+$0x0] =	vst.idx.msk $0xffff, v63  }
0xc1: {  	s17 =	sadd.s32 $0xFFFFFFFF, s10;
	[tilespmem:v4+s19+$0x0] =	vst.idx.msk $0xffff, v5  }
.LBB2_13:
0xc2: {  	p2 =	sne.s32 s17, $0x1;
	[tilespmem:v3+s22+$0x0] =	vst.idx.add.s32.msk $0xffff, v1;
	s30 =	sadd.s32 $0x10, s30;
	s3 =	sadd.s32 $0x10, s3  }
0xc3: {  	s17 =	sadd.s32 $0xFFFFFFFF, s17;
	v4 =	vld [tilespmem:s30+$0x0];
	_ =	sdelay $0x4  }
0xc4: {  	v5 =	vand.u32 $0xFF, v4;
	v3 =	vshrl.u32 v4, $0x8  }
0xc5: {  	(xrf1) =	vunique.msk.u32 $0xffff, v5;
	_ =	sdelay $0x8  }
0xc6: {  	v6 =	vld.idx.msk [tilespmem:v5+s19+$0x0], $0xffff;
	_ =	sdelay $0x4  }
0xc7: {  	_, v7, _ =	vpop (xrf1)  }
0xc8: {  	v6 =	vadd.s32 v6, v7;
	_ =	sdelay $0x2  }
.Ltmp11:
0xc9: {  	v3 =	vand.u32 $0xFF, v3;
	(pc) =	sbr.rel @p2 .LBB2_13-.Ltmp11, $4  }
0xca: {  	_ = 	snop  }
0xcb: {  	v7 =	vor.u32 s3, v2;
	[tilespmem:v6+s20+$0x0] =	vst.idx.msk $0xffff, v4  }
0xcc: {  	[tilespmem:v6+s21+$0x0] =	vst.idx.msk $0xffff, v7  }
0xcd: {  	[tilespmem:v5+s19+$0x0] =	vst.idx.msk $0xffff, v6  }
.LBB2_14:
0xce: {  	_ =	sdelay $0x3  }
0xcf: {  	[tilespmem:v3+s22+$0x0] =	vst.idx.add.s32.msk $0xffff, v1  }
.LBB2_15:
0xd0: {  	_ =	swait.ge [sflag:s23], $0x800  }
0xd1: {  	[sflag:s23] =	ssyncset.done $0x0  }
0xd2: {  	s29 =	simm.s32 $0x0;
	[sflag:s23] =	ssyncadd.s32 $0xFFFFF800  }
0xd3: {  	v3 =	vld [tilespmem:s29+$0x7100];
	_ =	sdelay $0x4  }
0xd4: {  	(xrf0) =	vadd.scan.msk.s32 $0xffff, v3;
	_ =	sdelay $0x5  }
0xd5: {  	s3 =	sshll.u32 s12, $0xB;
	v4, _, _ =	vpop (xrf0)  }
0xd6: {  	s12 =	sand.u32 $0xFFFFC000, s3;
	s3 =	simm.s32 $0xFFFFFFFF;
	(v2sf) =	vpush v4, $0xF  }
0xd7: {  	s12 =	sor.u32 s13, s12;
	v3 =	vsub.s32 s3, v3  }
0xd8: {  	s12 =	sshrl.u32 s12, $0x3;
	v3 =	vadd.s32 v4, v3  }
0xd9: {  	s17 =	simm.s32 $0x80;
	s13 =	simm.s32 $0x10;
	s12 =	sadd.s32 s2, s12;
	[tilespmem:s29+$0x7100] =	vst v3  }
.LBB2_16:
0xda: {  	p2 =	sne.s32 s17, $0x3C0;
	v3 =	vld [tilespmem:s13+$0x7100];
	_ =	sdelay $0x4  }
0xdb: {  	(xrf0) =	vadd.scan.msk.s32 $0xffff, v3;
	_ =	sdelay $0x5  }
.Ltmp12:
0xdc: {  	v4, _, _ =	vpop (xrf0);
	s29 =	spop (v2sf);
	(pc) =	sbr.rel @p2 .LBB2_16-.Ltmp12, $4  }
0xdd: {  	(v2sf) =	vpush v4, $0xF;
	s3 =	sadd.s32 s3, s29  }
0xde: {  	v3 =	vsub.s32 s3, v3  }
0xdf: {  	v3 =	vadd.s32 v4, v3  }
0xe0: {  	[tilespmem:s13+$0x7100] =	vst v3;
	s13 =	sshra.s32 s17, $0x2;
	s17 =	sadd.s32 $0x40, s17  }
0xe1: {  	_ =	sdelay $0x1  }
0xe2: {  	v3 =	vld [tilespmem:s13+$0x7100];
	_ =	sdelay $0x4  }
0xe3: {  	(xrf0) =	vadd.scan.msk.s32 $0xffff, v3;
	_ =	sdelay $0x3  }
0xe4: {  	s17 =	spop (v2sf)  }
0xe5: {  	s3 =	sadd.s32 s3, s17  }
0xe6: {  	v4, _, _ =	vpop (xrf0);
	v3 =	vsub.s32 s3, v3  }
0xe7: {  	v3 =	vadd.s32 v4, v3  }
0xe8: {  	[tilespmem:s13+$0x7100] =	vst v3  }
0xe9: {  	(v2sf) =	vpush v4, $0xF;
	[tilespmem:$0x7000] =	vst v0  }
0xea: {  	[tilespmem:$0x7010] =	vst v0  }
0xeb: {  	[tilespmem:$0x7020] =	vst v0  }
0xec: {  	[tilespmem:$0x7030] =	vst v0  }
0xed: {  	[tilespmem:$0x7040] =	vst v0  }
0xee: {  	[tilespmem:$0x7050] =	vst v0  }
0xef: {  	[tilespmem:$0x7060] =	vst v0  }
0xf0: {  	[tilespmem:$0x7070] =	vst v0  }
0xf1: {  	[tilespmem:$0x7080] =	vst v0  }
0xf2: {  	[tilespmem:$0x7090] =	vst v0  }
0xf3: {  	[tilespmem:$0x70A0] =	vst v0  }
.Ltmp13:
0xf4: {  	[tilespmem:$0x70B0] =	vst v0;
	(pc) =	sbr.rel @p1 .LBB2_21-.Ltmp13, $4  }
0xf5: {  	[tilespmem:$0x70C0] =	vst v0  }
0xf6: {  	[tilespmem:$0x70D0] =	vst v0  }
0xf7: {  	[tilespmem:$0x70E0] =	vst v0  }
0xf8: {  	[tilespmem:$0x70F0] =	vst v0;
	s30 =	spop (v2sf)  }
0xf9: {  	p1 =	sne.s32 s10, $0x1  }
.Ltmp14:
0xfa: {  	s3 =	simm.s32 $0x4000;
	(pc) =	sbr.rel @!p1 .LBB2_20-.Ltmp14, $3  }
0xfb: {  	v3 =	vld [tilespmem:s3+$0x0];
	_ =	sdelay $0x1  }
0xfc: {  	s13 =	simm.s32 $0x5000  }
0xfd: {  	s17 =	sadd.s32 $0xFFFFFFFF, s10;
	v4 =	vld [tilespmem:s13+$0x0]  }
.LBB2_19:
0xfe: {  	p1 =	sne.s32 s17, $0x1  }
0xff: {  	v5 =	vshrl.u32 v3, $0x8  }
0x100: {  	v5 =	vand.u32 $0xFF, v5  }
0x101: {  	(xrf1) =	vunique.msk.u32 $0xffff, v5;
	_ =	sdelay $0x8  }
0x102: {  	v6 =	vld.idx.msk [tilespmem:v5+s22+$0x0], $0xffff;
	_ =	sdelay $0x4  }
0x103: {  	_, v7, _ =	vpop (xrf1)  }
0x104: {  	v6 =	vadd.s32 v6, v7;
	_ =	sdelay $0x1  }
0x105: {  	v7 =	vshrl.u32 v3, $0x10  }
0x106: {  	v7 =	vand.u32 $0xFF, v7;
	_ =	sdelay $0x1  }
0x107: {  	[tilespmem:v6+s24+$0x0] =	vst.idx.msk $0xffff, v3  }
0x108: {  	[tilespmem:v6+s16+$0x0] =	vst.idx.msk $0xffff, v4  }
0x109: {  	[tilespmem:v5+s22+$0x0] =	vst.idx.msk $0xffff, v6  }
.Ltmp15:
0x10a: {  	s3 =	sadd.s32 $0x10, s3;
	[tilespmem:v7+s19+$0x0] =	vst.idx.add.s32.msk $0xffff, v1;
	(pc) =	sbr.rel @p1 .LBB2_19-.Ltmp15, $3  }
0x10b: {  	s13 =	sadd.s32 $0x10, s13;
	v3 =	vld [tilespmem:s3+$0x0]  }
0x10c: {  	v4 =	vld [tilespmem:s13+$0x0];
	_ =	sdelay $0x1  }
0x10d: {  	s17 =	sadd.s32 $0xFFFFFFFF, s17  }
.LBB2_20:
0x10e: {  	_ = 	snop  }
0x10f: {  	v5 =	vshrl.u32 v3, $0x8  }
0x110: {  	v5 =	vand.u32 $0xFF, v5  }
0x111: {  	(xrf1) =	vunique.msk.u32 $0xffff, v5;
	_ =	sdelay $0x9  }
0x112: {  	v6 =	vld.idx.msk [tilespmem:v5+s22+$0x0], $0xffff;
	_ =	sdelay $0x3  }
0x113: {  	_, v7, _ =	vpop (xrf1)  }
0x114: {  	v6 =	vadd.s32 v6, v7;
	_ =	sdelay $0x1  }
0x115: {  	v63 =	vshrl.u32 v3, $0x10  }
0x116: {  	v7 =	vand.u32 $0xFF, v63;
	_ =	sdelay $0x1  }
0x117: {  	[tilespmem:v6+s24+$0x0] =	vst.idx.msk $0xffff, v3  }
0x118: {  	[tilespmem:v6+s16+$0x0] =	vst.idx.msk $0xffff, v4  }
0x119: {  	[tilespmem:v5+s22+$0x0] =	vst.idx.msk $0xffff, v6  }
0x11a: {  	[tilespmem:v7+s19+$0x0] =	vst.idx.add.s32.msk $0xffff, v1  }
.LBB2_21:
0x11b: {  	s29 =	simm.s32 $0x0  }
0x11c: {  	v3 =	vld [tilespmem:s29+$0x7000];
	_ =	sdelay $0x4  }
0x11d: {  	(xrf0) =	vadd.scan.msk.s32 $0xffff, v3;
	_ =	sdelay $0x5  }
0x11e: {  	v4, _, _ =	vpop (xrf0)  }
0x11f: {  	s3 =	simm.s32 $0xFFFFFFFF;
	(v2sf) =	vpush v4, $0xF  }
0x120: {  	v3 =	vsub.s32 s3, v3  }
0x121: {  	v3 =	vadd.s32 v4, v3  }
0x122: {  	s13 =	simm.s32 $0x10;
	s17 =	simm.s32 $0x80;
	[tilespmem:s29+$0x7000] =	vst v3  }
.LBB2_22:
0x123: {  	p1 =	sne.s32 s17, $0x3C0;
	v3 =	vld [tilespmem:s13+$0x7000];
	_ =	sdelay $0x4  }
0x124: {  	(xrf0) =	vadd.scan.msk.s32 $0xffff, v3;
	_ =	sdelay $0x5  }
.Ltmp16:
0x125: {  	v4, _, _ =	vpop (xrf0);
	s29 =	spop (v2sf);
	(pc) =	sbr.rel @p1 .LBB2_22-.Ltmp16, $4  }
0x126: {  	(v2sf) =	vpush v4, $0xF;
	s3 =	sadd.s32 s3, s29  }
0x127: {  	v3 =	vsub.s32 s3, v3  }
0x128: {  	v3 =	vadd.s32 v4, v3  }
0x129: {  	[tilespmem:s13+$0x7000] =	vst v3;
	s13 =	sshra.s32 s17, $0x2;
	s17 =	sadd.s32 $0x40, s17  }
0x12a: {  	_ =	sdelay $0x1  }
0x12b: {  	v3 =	vld [tilespmem:s13+$0x7000];
	_ =	sdelay $0x4  }
0x12c: {  	(xrf0) =	vadd.scan.msk.s32 $0xffff, v3;
	_ =	sdelay $0x3  }
0x12d: {  	s17 =	spop (v2sf)  }
0x12e: {  	s3 =	sadd.s32 s3, s17  }
0x12f: {  	v4, _, _ =	vpop (xrf0);
	v3 =	vsub.s32 s3, v3  }
0x130: {  	v3 =	vadd.s32 v4, v3  }
0x131: {  	[tilespmem:s13+$0x7000] =	vst v3  }
0x132: {  	(v2sf) =	vpush v4, $0xF;
	[tilespmem:$0x7100] =	vst v0  }
0x133: {  	[tilespmem:$0x7110] =	vst v0  }
0x134: {  	[tilespmem:$0x7120] =	vst v0  }
0x135: {  	[tilespmem:$0x7130] =	vst v0  }
0x136: {  	[tilespmem:$0x7140] =	vst v0  }
0x137: {  	[tilespmem:$0x7150] =	vst v0  }
0x138: {  	[tilespmem:$0x7160] =	vst v0  }
0x139: {  	[tilespmem:$0x7170] =	vst v0  }
0x13a: {  	[tilespmem:$0x7180] =	vst v0  }
0x13b: {  	[tilespmem:$0x7190] =	vst v0  }
0x13c: {  	p1 =	sgt.s32 s10, $0x0;
	[tilespmem:$0x71A0] =	vst v0  }
.Ltmp17:
0x13d: {  	[tilespmem:$0x71B0] =	vst v0;
	(pc) =	sbr.rel @!p1 .LBB2_27-.Ltmp17, $4  }
0x13e: {  	[tilespmem:$0x71C0] =	vst v0  }
0x13f: {  	[tilespmem:$0x71D0] =	vst v0  }
0x140: {  	[tilespmem:$0x71E0] =	vst v0  }
0x141: {  	[tilespmem:$0x71F0] =	vst v0;
	s30 =	spop (v2sf)  }
0x142: {  	p2 =	seq.s32 s10, $0x1  }
.Ltmp18:
0x143: {  	s3 =	simm.s32 $0x2000;
	(pc) =	sbr.rel @p2 .LBB2_26-.Ltmp18, $3  }
0x144: {  	v3 =	vld [tilespmem:s3+$0x0];
	_ =	sdelay $0x1  }
0x145: {  	s13 =	simm.s32 $0x3000  }
0x146: {  	s17 =	smov.u32 s11;
	v4 =	vld [tilespmem:s13+$0x0]  }
.LBB2_25:
0x147: {  	p2 =	seq.s32 s17, $0x1  }
0x148: {  	v5 =	vshrl.u32 v3, $0x10  }
0x149: {  	v5 =	vand.u32 $0xFF, v5  }
0x14a: {  	(xrf1) =	vunique.msk.u32 $0xffff, v5;
	_ =	sdelay $0x8  }
0x14b: {  	v6 =	vld.idx.msk [tilespmem:v5+s19+$0x0], $0xffff;
	_ =	sdelay $0x4  }
0x14c: {  	_, v7, _ =	vpop (xrf1)  }
0x14d: {  	v6 =	vadd.s32 v6, v7;
	_ =	sdelay $0x2  }
0x14e: {  	v7 =	vshrl.u32 v3, $0x18;
	_ =	sdelay $0x1  }
0x14f: {  	[tilespmem:v6+s20+$0x0] =	vst.idx.msk $0xffff, v3  }
0x150: {  	[tilespmem:v6+s21+$0x0] =	vst.idx.msk $0xffff, v4  }
0x151: {  	[tilespmem:v5+s19+$0x0] =	vst.idx.msk $0xffff, v6  }
.Ltmp19:
0x152: {  	s3 =	sadd.s32 $0x10, s3;
	[tilespmem:v7+s22+$0x0] =	vst.idx.add.s32.msk $0xffff, v1;
	(pc) =	sbr.rel @!p2 .LBB2_25-.Ltmp19, $3  }
0x153: {  	s13 =	sadd.s32 $0x10, s13;
	v3 =	vld [tilespmem:s3+$0x0]  }
0x154: {  	v4 =	vld [tilespmem:s13+$0x0];
	_ =	sdelay $0x1  }
0x155: {  	s17 =	sadd.s32 $0xFFFFFFFF, s17  }
.LBB2_26:
0x156: {  	_ = 	snop  }
0x157: {  	v5 =	vshrl.u32 v3, $0x10  }
0x158: {  	v5 =	vand.u32 $0xFF, v5  }
0x159: {  	(xrf1) =	vunique.msk.u32 $0xffff, v5;
	_ =	sdelay $0x9  }
0x15a: {  	v6 =	vld.idx.msk [tilespmem:v5+s19+$0x0], $0xffff;
	_ =	sdelay $0x3  }
0x15b: {  	_, v7, _ =	vpop (xrf1)  }
0x15c: {  	v6 =	vadd.s32 v6, v7;
	_ =	sdelay $0x2  }
0x15d: {  	v63 =	vshrl.u32 v3, $0x18;
	_ =	sdelay $0x1  }
0x15e: {  	[tilespmem:v6+s20+$0x0] =	vst.idx.msk $0xffff, v3  }
0x15f: {  	[tilespmem:v6+s21+$0x0] =	vst.idx.msk $0xffff, v4  }
0x160: {  	[tilespmem:v5+s19+$0x0] =	vst.idx.msk $0xffff, v6  }
0x161: {  	[tilespmem:v63+s22+$0x0] =	vst.idx.add.s32.msk $0xffff, v1  }
.LBB2_27:
0x162: {  	s29 =	simm.s32 $0x0  }
0x163: {  	v3 =	vld [tilespmem:s29+$0x7100];
	_ =	sdelay $0x4  }
0x164: {  	(xrf0) =	vadd.scan.msk.s32 $0xffff, v3;
	_ =	sdelay $0x5  }
0x165: {  	v4, _, _ =	vpop (xrf0)  }
0x166: {  	s3 =	simm.s32 $0xFFFFFFFF;
	(v2sf) =	vpush v4, $0xF  }
0x167: {  	v3 =	vsub.s32 s3, v3  }
0x168: {  	v3 =	vadd.s32 v4, v3  }
0x169: {  	s13 =	simm.s32 $0x10;
	s17 =	simm.s32 $0x80;
	[tilespmem:s29+$0x7100] =	vst v3  }
.LBB2_28:
0x16a: {  	p2 =	seq.s32 s17, $0x3C0;
	v3 =	vld [tilespmem:s13+$0x7100];
	_ =	sdelay $0x4  }
0x16b: {  	(xrf0) =	vadd.scan.msk.s32 $0xffff, v3;
	_ =	sdelay $0x5  }
.Ltmp20:
0x16c: {  	v4, _, _ =	vpop (xrf0);
	s29 =	spop (v2sf);
	(pc) =	sbr.rel @!p2 .LBB2_28-.Ltmp20, $4  }
0x16d: {  	(v2sf) =	vpush v4, $0xF;
	s3 =	sadd.s32 s3, s29  }
0x16e: {  	v3 =	vsub.s32 s3, v3  }
0x16f: {  	v3 =	vadd.s32 v4, v3  }
0x170: {  	[tilespmem:s13+$0x7100] =	vst v3;
	s13 =	sshra.s32 s17, $0x2;
	s17 =	sadd.s32 $0x40, s17  }
0x171: {  	v3 =	vld [tilespmem:s13+$0x7100];
	_ =	sdelay $0x4  }
0x172: {  	(xrf0) =	vadd.scan.msk.s32 $0xffff, v3;
	_ =	sdelay $0x5  }
0x173: {  	v4, _, _ =	vpop (xrf0)  }
0x174: {  	(v2sf) =	vpush v4, $0xF;
	_ =	sdelay $0xa  }
.Ltmp21:
0x175: {  	s17 =	spop (v2sf);
	(pc) =	sbr.rel @!p1 .LBB2_36-.Ltmp21, $4  }
0x176: {  	s3 =	sadd.s32 s3, s17  }
0x177: {  	v3 =	vsub.s32 s3, v3  }
0x178: {  	v3 =	vadd.s32 v4, v3  }
0x179: {  	[tilespmem:s13+$0x7100] =	vst v3;
	s30 =	spop (v2sf)  }
0x17a: {  	p2 =	sne.s32 s10, $0x1  }
.Ltmp22:
0x17b: {  	_ = 	snop;
	(pc) =	sbr.rel @!p2 .LBB2_31-.Ltmp22, $3  }
0x17c: {  	_ =	sdelay $0x1  }
0x17d: {  	s3 =	simm.s32 $0x4000  }
0x17e: {  	s13 =	simm.s32 $0x5000;
	p1 =	por $0x0, $0x0;
	v3 =	vld [tilespmem:s3+$0x0]  }
0x17f: {  	_ =	sdelay $0x3  }
0x180: {  	v3 =	vshrl.u32 v3, $0x18  }
0x181: {  	(xrf1) =	vunique.msk.u32 $0xffff, v3;
	_ =	sdelay $0x9  }
0x182: {  	v4 =	vld.idx.msk [tilespmem:v3+s22+$0x0], $0xffff;
	_ =	sdelay $0x3  }
0x183: {  	_, v5, _ =	vpop (xrf1)  }
0x184: {  	v4 =	vadd.s32 v4, v5;
	v5 =	vld [tilespmem:s13+$0x0];
	_ =	sdelay $0x2  }
0x185: {  	p2 =	sne.s32 s11, $0x1  }
.Ltmp23:
0x186: {  	_ = 	snop;
	(pc) =	sbr.rel @!p2 .LBB2_33-.Ltmp23, $4  }
0x187: {  	[tilespmem:v4+s16+$0x0] =	vst.idx.msk $0xffff, v5  }
0x188: {  	s17 =	simm.s32 $0x4010;
	[tilespmem:v3+s22+$0x0] =	vst.idx.msk $0xffff, v4  }
0x189: {  	v3 =	vld [tilespmem:s17+$0x0]  }
0x18a: {  	s11 =	sadd.s32 $0xFFFFFFFF, s11;
	p1 =	por $0x1, $0x1;
	s3 =	simm.s32 $0x5000  }
.LBB2_34:
0x18b: {  	p2 =	sne.s32 s11, $0x1;
	_ =	sdelay $0x2  }
0x18c: {  	v3 =	vshrl.u32 v3, $0x18  }
0x18d: {  	(xrf1) =	vunique.msk.u32 $0xffff, v3;
	_ =	sdelay $0x8  }
0x18e: {  	v4 =	vld.idx.msk [tilespmem:v3+s22+$0x0], $0xffff;
	_ =	sdelay $0x4  }
0x18f: {  	s3 =	sadd.s32 $0x10, s3;
	_, v5, _ =	vpop (xrf1)  }
0x190: {  	v4 =	vadd.s32 v4, v5;
	v5 =	vld [tilespmem:s3+$0x0];
	_ =	sdelay $0x3  }
.Ltmp24:
0x191: {  	(pc) =	sbr.rel @p2 .LBB2_34-.Ltmp24, $4  }
0x192: {  	[tilespmem:v4+s16+$0x0] =	vst.idx.msk $0xffff, v5  }
0x193: {  	s17 =	sadd.s32 $0x10, s17;
	[tilespmem:v3+s22+$0x0] =	vst.idx.msk $0xffff, v4  }
0x194: {  	v3 =	vld [tilespmem:s17+$0x0]  }
0x195: {  	s11 =	sadd.s32 $0xFFFFFFFF, s11  }
.LBB2_35:
0x196: {  	_ =	sdelay $0x2  }
0x197: {  	v3 =	vshrl.u32 v3, $0x18  }
0x198: {  	(xrf1) =	vunique.msk.u32 $0xffff, v3;
	_ =	sdelay $0x9  }
0x199: {  	v4 =	vld.idx.msk [tilespmem:v3+s22+$0x0], $0xffff;
	_ =	sdelay $0x2  }
0x19a: {  	s3 =	sadd.s32 @p1 $0x10, s3  }
0x19b: {  	s13 =	smov.u32 @p1 s3;
	_, v5, _ =	vpop (xrf1)  }
0x19c: {  	v63 =	vld [tilespmem:s13+$0x0];
	v4 =	vadd.s32 v4, v5  }
0x19d: {  	p1 =	sgt.u32 s10, $0x7F  }
.Ltmp25:
0x19e: {  	_ = 	snop;
	(pc) =	sbr.rel @p1 .LBB2_38-.Ltmp25, $3  }
0x19f: {  	_ =	sdelay $0x1  }
0x1a0: {  	[tilespmem:v4+s16+$0x0] =	vst.idx.msk $0xffff, v63  }
0x1a1: {  	[tilespmem:v3+s22+$0x0] =	vst.idx.msk $0xffff, v4  }
.LBB2_36:
0x1a2: {  	s11 =	ssub.s32 $0x80, s10  }
0x1a3: {  	p1 =	sne.s32 s11, $0x1  }
.Ltmp26:
0x1a4: {  	_ = 	snop;
	(pc) =	sbr.rel @!p1 .LBB2_38-.Ltmp26, $4  }
0x1a5: {  	s3 =	sshll.u32 s10, $0x6  }
0x1a6: {  	s13 =	sshll.u32 s10, $0x4;
	s3 =	sshra.s32 s3, $0x2  }
0x1a7: {  	v3 =	vor.u32 s13, v2;
	s3 =	sadd.s32 $0x3000, s3  }
0x1a8: {  	s11 =	sadd.s32 $0xFFFFFFFF, s11;
	s13 =	sadd.s32 $0x10, s13;
	[tilespmem:s3+$0x0] =	vst v3  }
.LBB2_37:
0x1a9: {  	v3 =	vor.u32 s13, v2;
	p1 =	sne.s32 s11, $0x1;
	s11 =	sadd.s32 $0xFFFFFFFF, s11;
	s3 =	sadd.s32 $0x10, s3  }
.Ltmp27:
0x1aa: {  	[tilespmem:s3+$0x0] =	vst v3;
	(pc) =	sbr.rel @p1 .LBB2_37-.Ltmp27, $2  }
0x1ab: {  	_ =	sdelay $0x2  }
0x1ac: {  	s13 =	sadd.s32 $0x10, s13  }
.LBB2_38:
0x1ad: {  	v3 =	vld [tilespmem:$0x37F0];
	_ =	sdelay $0x4  }
0x1ae: {  	(v2sf) =	vpush v3, $0xF;
	_ =	sdelay $0xe  }
0x1af: {  	p1 =	sgt.s32 s10, $0x7F;
	s3 =	spop (v2sf)  }
0x1b0: {  	s3 =	simm.s32 @!p1 $0x7FF  }
0x1b1: {  	v3 =	vmov s3;
	_ =	sdelay $0x3  }
0x1b2: {  	s11 =	simm.s32 $0x6000  }
0x1b3: {  	v4 =	vld.idx.msk [tilespmem:v3+s11+$0x0], $0xffff;
	_ =	sdelay $0x4  }
0x1b4: {  	(v2sf) =	vpush v4, $0xF;
	_ =	sdelay $0xb  }
0x1b5: {  	s3 =	ssub.s32 $0x17F, s0  }
0x1b6: {  	s3 =	smov.u32 @p0 s0  }
0x1b7: {  	v63 =	vmov s3  }
0x1b8: {  	s10 =	spop (v2sf)  }
0x1b9: {  	s13 =	smin.u32 s0, $0xFD;
	s3 =	sxor.u32 $0x7FFFFFFF, s10  }
0x1ba: {  	s17 =	sadd.s32 s13, s5;
	s3 =	simm.s32 @!p1 $0x80000000  }
0x1bb: {  	s10 =	ssub.s32 $0x207D, s17;
	p1 =	slt.u32 s31, $0x3F;
	v5 =	vmov s3;
	s3 =	sadd.s32 s13, s8  }
0x1bc: {  	[tilespmem:v63+s25+$0x0] =	vst.idx.msk $0xffff, v5;
	s10 =	smov.u32 @p1 s3  }
0x1bd: {  	[tilespmem:v63+s26+$0x0] =	vst.idx.msk $0xffff, v3;
	s3 =	sshll.u32 s10, $0xC;
	s10 =	sshll.u32 s10, $0x7  }
0x1be: {  	[hbm4b:s12+s14] =	stream.strided.scatter [tilespmem:s16], [sflag:$0x3], $0x800, s15, s14, $0x38;
	[tilespmem:$0x7400] =	vst v63  }
0x1bf: {  	s3 =	sand.u32 $0x3FF8000, s3;
	s10 =	sand.u32 $0x380, s10  }
0x1c0: {  	s3 =	sor.u32 s10, s3  }
0x1c1: {  	s3 =	sshrl.u32 s3, $0x3  }
0x1c2: {  	s3 =	sadd.s32 s1, s3  }
0x1c3: {  	[tilespmem:s4], [sflag:$0x1] =	stream.strided.gather [hbm4b:s3+s14], $0x1000, s15, s14, $0x38;
	[tilespmem:$0x7400] =	vst v63  }
0x1c4: {  	s29 =	sshra.s32 s7, $0x1F;
	_ =	swait.ge [sflag:s28], $0x1000  }
0x1c5: {  	s3 =	sshrl.u32 s29, $0x14;
	[sflag:s28] =	ssyncset.done $0x0  }
0x1c6: {  	s3 =	sadd.s32 s3, s7;
	[sflag:s28] =	ssyncadd.s32 $0xFFFFF000  }
0x1c7: {  	s3 =	sand.u32 $0xFFFFF000, s3;
	[tilespmem:$0x7000] =	vst v0  }
0x1c8: {  	s12 =	ssub.s32 s7, s3;
	[tilespmem:$0x7010] =	vst v0  }
0x1c9: {  	[tilespmem:$0x7020] =	vst v0;
	s3 =	sadd.s32 $0x10, s12  }
0x1ca: {  	[tilespmem:$0x7030] =	vst v0;
	s30 =	sshll.u32 s3, $0x10  }
0x1cb: {  	[tilespmem:$0x7040] =	vst v0;
	s13 =	sand.u32 $0xF, s12;
	s10 =	sshra.s32 s30, $0x1F  }
0x1cc: {  	[tilespmem:$0x7050] =	vst v0;
	p6 =	slt.s32 s12, $0xFFFFFFF1;
	p2 =	sne.s32 s13, $0x0;
	s10 =	sand.u32 $0xF, s10  }
0x1cd: {  	[tilespmem:$0x7060] =	vst v0;
	p1 =	por !p6, !p2;
	s3 =	sadd.s32 s10, s3  }
0x1ce: {  	[tilespmem:$0x7070] =	vst v0;
	p1 =	por !p1, !p1;
	s10 =	simm.s32 $0x1;
	s3 =	sshll.u32 s3, $0x10  }
0x1cf: {  	[tilespmem:$0x7080] =	vst v0;
	s10 =	simm.s32 @!p1 $0x0;
	s3 =	sshra.s32 s3, $0x14  }
0x1d0: {  	[tilespmem:$0x7090] =	vst v0;
	s10 =	ssub.s32 s3, s10  }
0x1d1: {  	[tilespmem:$0x70A0] =	vst v0;
	p1 =	slt.s32 s10, $0x2  }
.Ltmp28:
0x1d2: {  	[tilespmem:$0x70B0] =	vst v0;
	(pc) =	sbr.rel @p1 .LBB2_45-.Ltmp28, $4  }
0x1d3: {  	[tilespmem:$0x70C0] =	vst v0  }
0x1d4: {  	[tilespmem:$0x70D0] =	vst v0  }
0x1d5: {  	[tilespmem:$0x70E0] =	vst v0  }
0x1d6: {  	[tilespmem:$0x70F0] =	vst v0;
	s3 =	simm.s32 $0x1000;
	s13 =	sadd.s32 $0xFFFFFFFF, s10  }
0x1d7: {  	p2 =	sne.s32 s13, $0x1  }
.Ltmp29:
0x1d8: {  	_ = 	snop;
	(pc) =	sbr.rel @!p2 .LBB2_40-.Ltmp29, $2  }
0x1d9: {  	_ =	sdelay $0x2  }
0x1da: {  	v3 =	vld [tilespmem:s3+$0x0];
	s29 =	sadd.s32 $0xFFFFFFFF, s13;
	p1 =	por $0x0, $0x0  }
0x1db: {  	_ =	sdelay $0x3  }
0x1dc: {  	v4 =	vsub.s32 $0x80000000, v3;
	vm0 =	vlt.s32 v3, $0x0  }
0x1dd: {  	v3 =	vsel vm0, v4, v3  }
0x1de: {  	v3 =	vxor.u32 $0x7FFFFFFF, v3  }
0x1df: {  	v4 =	vand.u32 $0xFF, v3  }
0x1e0: {  	p2 =	sne.s32 s29, $0x1  }
.Ltmp30:
0x1e1: {  	_ = 	snop;
	(pc) =	sbr.rel @!p2 .LBB2_42-.Ltmp30, $4  }
0x1e2: {  	_ = 	snop  }
0x1e3: {  	[tilespmem:s11+$0x0] =	vst v3  }
0x1e4: {  	s17 =	sadd.s32 $0x10, s3;
	[tilespmem:v4+s19+$0x0] =	vst.idx.add.s32.msk $0xffff, v1  }
0x1e5: {  	s29 =	sadd.s32 $0xFFFFFFFF, s29;
	p1 =	por $0x1, $0x1;
	s3 =	simm.s32 $0x6000;
	v3 =	vld [tilespmem:s17+$0x0]  }
.LBB2_43:
0x1e6: {  	p2 =	sne.s32 s29, $0x1;
	_ =	sdelay $0x3  }
0x1e7: {  	v4 =	vsub.s32 $0x80000000, v3;
	vm0 =	vlt.s32 v3, $0x0  }
0x1e8: {  	v3 =	vsel vm0, v4, v3  }
0x1e9: {  	s3 =	sadd.s32 $0x10, s3;
	v3 =	vxor.u32 $0x7FFFFFFF, v3  }
0x1ea: {  	[tilespmem:s3+$0x0] =	vst v3;
	v3 =	vand.u32 $0xFF, v3;
	_ =	sdelay $0x1  }
.Ltmp31:
0x1eb: {  	(pc) =	sbr.rel @p2 .LBB2_43-.Ltmp31, $3  }
0x1ec: {  	_ =	sdelay $0x1  }
0x1ed: {  	s17 =	sadd.s32 $0x10, s17;
	[tilespmem:v3+s19+$0x0] =	vst.idx.add.s32.msk $0xffff, v1  }
0x1ee: {  	s29 =	sadd.s32 $0xFFFFFFFF, s29;
	v3 =	vld [tilespmem:s17+$0x0]  }
.LBB2_44:
0x1ef: {  	_ =	sdelay $0x3  }
0x1f0: {  	v4 =	vsub.s32 $0x80000000, v3;
	vm0 =	vlt.s32 v3, $0x0  }
0x1f1: {  	v3 =	vsel vm0, v4, v3  }
0x1f2: {  	v3 =	vxor.u32 $0x7FFFFFFF, v3  }
0x1f3: {  	v63 =	vand.u32 $0xFF, v3;
	_ =	sdelay $0x1  }
0x1f4: {  	s3 =	sadd.s32 @p1 $0x10, s3  }
0x1f5: {  	s11 =	smov.u32 @p1 s3  }
0x1f6: {  	[tilespmem:s11+$0x0] =	vst v3  }
0x1f7: {  	[tilespmem:v63+s19+$0x0] =	vst.idx.add.s32.msk $0xffff, v1  }
.LBB2_45:
0x1f8: {  	s3 =	sshll.u32 s13, $0x4  }
0x1f9: {  	v3 =	vld [tilespmem:s3+$0x1000];
	_ =	sdelay $0x4  }
0x1fa: {  	v4 =	vsub.s32 $0x80000000, v3;
	vm0 =	vlt.s32 v3, $0x0  }
0x1fb: {  	v61 =	vor.u32 s3, v2;
	v3 =	vsel vm0, v4, v3  }
0x1fc: {  	vm15 =	vgt.s32 v61, s12;
	v3 =	vxor.u32 $0x7FFFFFFF, v3  }
0x1fd: {  	v3 =	vsel vm15, $0xFFFFFFFF, v3  }
0x1fe: {  	v62 =	vand.u32 $0xFF, v3;
	_ =	sdelay $0x3  }
0x1ff: {  	[tilespmem:s3+$0x6000] =	vst v3  }
0x200: {  	s30 =	simm.s32 $0x0;
	[tilespmem:v62+s19+$0x0] =	vst.idx.add.s32.msk $0xffff, v1  }
0x201: {  	v3 =	vld [tilespmem:s30+$0x7000];
	_ =	sdelay $0x4  }
0x202: {  	(xrf0) =	vadd.scan.msk.s32 $0xffff, v3;
	_ =	sdelay $0x5  }
0x203: {  	v63, _, _ =	vpop (xrf0)  }
0x204: {  	s3 =	simm.s32 $0xFFFFFFFF;
	(v2sf) =	vpush v63, $0xF  }
0x205: {  	v3 =	vsub.s32 s3, v3  }
0x206: {  	v3 =	vadd.s32 v63, v3  }
0x207: {  	s11 =	simm.s32 $0x10;
	s12 =	simm.s32 $0x80;
	[tilespmem:s30+$0x7000] =	vst v3  }
.LBB2_46:
0x208: {  	p1 =	sne.s32 s12, $0x3C0;
	v3 =	vld [tilespmem:s11+$0x7000];
	_ =	sdelay $0x4  }
0x209: {  	(xrf0) =	vadd.scan.msk.s32 $0xffff, v3;
	_ =	sdelay $0x5  }
.Ltmp32:
0x20a: {  	v4, _, _ =	vpop (xrf0);
	s13 =	spop (v2sf);
	(pc) =	sbr.rel @p1 .LBB2_46-.Ltmp32, $4  }
0x20b: {  	(v2sf) =	vpush v4, $0xF;
	s3 =	sadd.s32 s3, s13  }
0x20c: {  	v3 =	vsub.s32 s3, v3  }
0x20d: {  	v3 =	vadd.s32 v4, v3  }
0x20e: {  	[tilespmem:s11+$0x7000] =	vst v3;
	s11 =	sshra.s32 s12, $0x2;
	s12 =	sadd.s32 $0x40, s12  }
0x20f: {  	_ =	sdelay $0x1  }
0x210: {  	v3 =	vld [tilespmem:s11+$0x7000];
	_ =	sdelay $0x4  }
0x211: {  	(xrf0) =	vadd.scan.msk.s32 $0xffff, v3;
	_ =	sdelay $0x3  }
0x212: {  	s12 =	spop (v2sf)  }
0x213: {  	s3 =	sadd.s32 s3, s12  }
0x214: {  	v4, _, _ =	vpop (xrf0);
	v3 =	vsub.s32 s3, v3  }
0x215: {  	v3 =	vadd.s32 v4, v3  }
0x216: {  	[tilespmem:s11+$0x7000] =	vst v3  }
0x217: {  	(v2sf) =	vpush v4, $0xF;
	[tilespmem:$0x7100] =	vst v0  }
0x218: {  	[tilespmem:$0x7110] =	vst v0  }
0x219: {  	[tilespmem:$0x7120] =	vst v0  }
0x21a: {  	[tilespmem:$0x7130] =	vst v0  }
0x21b: {  	[tilespmem:$0x7140] =	vst v0  }
0x21c: {  	[tilespmem:$0x7150] =	vst v0  }
0x21d: {  	[tilespmem:$0x7160] =	vst v0  }
0x21e: {  	[tilespmem:$0x7170] =	vst v0  }
0x21f: {  	[tilespmem:$0x7180] =	vst v0  }
0x220: {  	[tilespmem:$0x7190] =	vst v0  }
0x221: {  	p1 =	slt.s32 s10, $0x1;
	[tilespmem:$0x71A0] =	vst v0  }
.Ltmp33:
0x222: {  	[tilespmem:$0x71B0] =	vst v0;
	(pc) =	sbr.rel @p1 .LBB2_51-.Ltmp33, $4  }
0x223: {  	[tilespmem:$0x71C0] =	vst v0  }
0x224: {  	[tilespmem:$0x71D0] =	vst v0  }
0x225: {  	[tilespmem:$0x71E0] =	vst v0  }
0x226: {  	[tilespmem:$0x71F0] =	vst v0;
	s30 =	spop (v2sf)  }
0x227: {  	s11 =	simm.s32 $0x6000  }
0x228: {  	v3 =	vld [tilespmem:s11+$0x0];
	_ =	sdelay $0x4  }
0x229: {  	v4 =	vand.u32 $0xFF, v3  }
0x22a: {  	(xrf1) =	vunique.msk.u32 $0xffff, v4;
	_ =	sdelay $0x9  }
0x22b: {  	v5 =	vld.idx.msk [tilespmem:v4+s19+$0x0], $0xffff;
	_ =	sdelay $0x3  }
0x22c: {  	_, v6, _ =	vpop (xrf1)  }
0x22d: {  	v5 =	vadd.s32 v5, v6;
	_ =	sdelay $0x4  }
0x22e: {  	p2 =	sne.s32 s10, $0x1;
	[tilespmem:v5+s20+$0x0] =	vst.idx.msk $0xffff, v3;
	v3 =	vshrl.u32 v3, $0x8  }
.Ltmp34:
0x22f: {  	v3 =	vand.u32 $0xFF, v3;
	(pc) =	sbr.rel @!p2 .LBB2_50-.Ltmp34, $4  }
0x230: {  	s3 =	simm.s32 $0x0  }
0x231: {  	v63 =	vor.u32 s3, v2  }
0x232: {  	[tilespmem:v5+s21+$0x0] =	vst.idx.msk $0xffff, v63  }
0x233: {  	s12 =	sadd.s32 $0xFFFFFFFF, s10;
	[tilespmem:v4+s19+$0x0] =	vst.idx.msk $0xffff, v5  }
.LBB2_49:
0x234: {  	p2 =	sne.s32 s12, $0x1;
	[tilespmem:v3+s22+$0x0] =	vst.idx.add.s32.msk $0xffff, v1;
	s11 =	sadd.s32 $0x10, s11;
	s3 =	sadd.s32 $0x10, s3  }
0x235: {  	s12 =	sadd.s32 $0xFFFFFFFF, s12;
	v4 =	vld [tilespmem:s11+$0x0];
	_ =	sdelay $0x4  }
0x236: {  	v5 =	vand.u32 $0xFF, v4;
	v3 =	vshrl.u32 v4, $0x8  }
0x237: {  	(xrf1) =	vunique.msk.u32 $0xffff, v5;
	_ =	sdelay $0x8  }
0x238: {  	v6 =	vld.idx.msk [tilespmem:v5+s19+$0x0], $0xffff;
	_ =	sdelay $0x4  }
0x239: {  	_, v7, _ =	vpop (xrf1)  }
0x23a: {  	v6 =	vadd.s32 v6, v7;
	_ =	sdelay $0x2  }
.Ltmp35:
0x23b: {  	v3 =	vand.u32 $0xFF, v3;
	(pc) =	sbr.rel @p2 .LBB2_49-.Ltmp35, $4  }
0x23c: {  	_ = 	snop  }
0x23d: {  	v7 =	vor.u32 s3, v2;
	[tilespmem:v6+s20+$0x0] =	vst.idx.msk $0xffff, v4  }
0x23e: {  	[tilespmem:v6+s21+$0x0] =	vst.idx.msk $0xffff, v7  }
0x23f: {  	[tilespmem:v5+s19+$0x0] =	vst.idx.msk $0xffff, v6  }
.LBB2_50:
0x240: {  	_ =	sdelay $0x3  }
0x241: {  	[tilespmem:v3+s22+$0x0] =	vst.idx.add.s32.msk $0xffff, v1  }
.LBB2_51:
0x242: {  	_ =	swait.ge [sflag:s23], $0x800  }
0x243: {  	[sflag:s23] =	ssyncset.done $0x0  }
0x244: {  	s12 =	simm.s32 $0x0;
	[sflag:s23] =	ssyncadd.s32 $0xFFFFF800  }
0x245: {  	v3 =	vld [tilespmem:s12+$0x7100];
	_ =	sdelay $0x4  }
0x246: {  	(xrf0) =	vadd.scan.msk.s32 $0xffff, v3;
	_ =	sdelay $0x5  }
0x247: {  	s3 =	sshll.u32 s7, $0xB;
	v4, _, _ =	vpop (xrf0)  }
0x248: {  	s7 =	sand.u32 $0xFFFFC000, s3;
	s3 =	simm.s32 $0xFFFFFFFF;
	(v2sf) =	vpush v4, $0xF  }
0x249: {  	s7 =	sor.u32 s9, s7;
	v3 =	vsub.s32 s3, v3  }
0x24a: {  	s7 =	sshrl.u32 s7, $0x3;
	v3 =	vadd.s32 v4, v3  }
0x24b: {  	s11 =	simm.s32 $0x80;
	s9 =	simm.s32 $0x10;
	s7 =	sadd.s32 s2, s7;
	[tilespmem:s12+$0x7100] =	vst v3  }
.LBB2_52:
0x24c: {  	p2 =	sne.s32 s11, $0x3C0;
	v3 =	vld [tilespmem:s9+$0x7100];
	_ =	sdelay $0x4  }
0x24d: {  	(xrf0) =	vadd.scan.msk.s32 $0xffff, v3;
	_ =	sdelay $0x5  }
.Ltmp36:
0x24e: {  	v4, _, _ =	vpop (xrf0);
	s12 =	spop (v2sf);
	(pc) =	sbr.rel @p2 .LBB2_52-.Ltmp36, $4  }
0x24f: {  	(v2sf) =	vpush v4, $0xF;
	s3 =	sadd.s32 s3, s12  }
0x250: {  	v3 =	vsub.s32 s3, v3  }
0x251: {  	v3 =	vadd.s32 v4, v3  }
0x252: {  	[tilespmem:s9+$0x7100] =	vst v3;
	s9 =	sshra.s32 s11, $0x2;
	s11 =	sadd.s32 $0x40, s11  }
0x253: {  	_ =	sdelay $0x1  }
0x254: {  	v3 =	vld [tilespmem:s9+$0x7100];
	_ =	sdelay $0x4  }
0x255: {  	(xrf0) =	vadd.scan.msk.s32 $0xffff, v3;
	_ =	sdelay $0x3  }
0x256: {  	s11 =	spop (v2sf)  }
0x257: {  	s3 =	sadd.s32 s3, s11  }
0x258: {  	v4, _, _ =	vpop (xrf0);
	v3 =	vsub.s32 s3, v3  }
0x259: {  	v3 =	vadd.s32 v4, v3  }
0x25a: {  	[tilespmem:s9+$0x7100] =	vst v3  }
0x25b: {  	(v2sf) =	vpush v4, $0xF;
	[tilespmem:$0x7000] =	vst v0  }
0x25c: {  	[tilespmem:$0x7010] =	vst v0  }
0x25d: {  	[tilespmem:$0x7020] =	vst v0  }
0x25e: {  	[tilespmem:$0x7030] =	vst v0  }
0x25f: {  	[tilespmem:$0x7040] =	vst v0  }
0x260: {  	[tilespmem:$0x7050] =	vst v0  }
0x261: {  	[tilespmem:$0x7060] =	vst v0  }
0x262: {  	[tilespmem:$0x7070] =	vst v0  }
0x263: {  	[tilespmem:$0x7080] =	vst v0  }
0x264: {  	[tilespmem:$0x7090] =	vst v0  }
0x265: {  	[tilespmem:$0x70A0] =	vst v0  }
.Ltmp37:
0x266: {  	[tilespmem:$0x70B0] =	vst v0;
	(pc) =	sbr.rel @p1 .LBB2_57-.Ltmp37, $4  }
0x267: {  	[tilespmem:$0x70C0] =	vst v0  }
0x268: {  	[tilespmem:$0x70D0] =	vst v0  }
0x269: {  	[tilespmem:$0x70E0] =	vst v0  }
0x26a: {  	[tilespmem:$0x70F0] =	vst v0;
	s30 =	spop (v2sf)  }
0x26b: {  	p1 =	sne.s32 s10, $0x1  }
.Ltmp38:
0x26c: {  	s3 =	simm.s32 $0x4000;
	(pc) =	sbr.rel @!p1 .LBB2_56-.Ltmp38, $3  }
0x26d: {  	v3 =	vld [tilespmem:s3+$0x0];
	_ =	sdelay $0x1  }
0x26e: {  	s9 =	simm.s32 $0x5000  }
0x26f: {  	s11 =	sadd.s32 $0xFFFFFFFF, s10;
	v4 =	vld [tilespmem:s9+$0x0]  }
.LBB2_55:
0x270: {  	p1 =	sne.s32 s11, $0x1  }
0x271: {  	v5 =	vshrl.u32 v3, $0x8  }
0x272: {  	v5 =	vand.u32 $0xFF, v5  }
0x273: {  	(xrf1) =	vunique.msk.u32 $0xffff, v5;
	_ =	sdelay $0x8  }
0x274: {  	v6 =	vld.idx.msk [tilespmem:v5+s22+$0x0], $0xffff;
	_ =	sdelay $0x4  }
0x275: {  	_, v7, _ =	vpop (xrf1)  }
0x276: {  	v6 =	vadd.s32 v6, v7;
	_ =	sdelay $0x1  }
0x277: {  	v7 =	vshrl.u32 v3, $0x10  }
0x278: {  	v7 =	vand.u32 $0xFF, v7;
	_ =	sdelay $0x1  }
0x279: {  	[tilespmem:v6+s24+$0x0] =	vst.idx.msk $0xffff, v3  }
0x27a: {  	[tilespmem:v6+s16+$0x0] =	vst.idx.msk $0xffff, v4  }
0x27b: {  	[tilespmem:v5+s22+$0x0] =	vst.idx.msk $0xffff, v6  }
.Ltmp39:
0x27c: {  	s3 =	sadd.s32 $0x10, s3;
	[tilespmem:v7+s19+$0x0] =	vst.idx.add.s32.msk $0xffff, v1;
	(pc) =	sbr.rel @p1 .LBB2_55-.Ltmp39, $3  }
0x27d: {  	s9 =	sadd.s32 $0x10, s9;
	v3 =	vld [tilespmem:s3+$0x0]  }
0x27e: {  	v4 =	vld [tilespmem:s9+$0x0];
	_ =	sdelay $0x1  }
0x27f: {  	s11 =	sadd.s32 $0xFFFFFFFF, s11  }
.LBB2_56:
0x280: {  	_ = 	snop  }
0x281: {  	v5 =	vshrl.u32 v3, $0x8  }
0x282: {  	v5 =	vand.u32 $0xFF, v5  }
0x283: {  	(xrf1) =	vunique.msk.u32 $0xffff, v5;
	_ =	sdelay $0x9  }
0x284: {  	v6 =	vld.idx.msk [tilespmem:v5+s22+$0x0], $0xffff;
	_ =	sdelay $0x3  }
0x285: {  	_, v7, _ =	vpop (xrf1)  }
0x286: {  	v6 =	vadd.s32 v6, v7;
	_ =	sdelay $0x1  }
0x287: {  	v63 =	vshrl.u32 v3, $0x10  }
0x288: {  	v7 =	vand.u32 $0xFF, v63;
	_ =	sdelay $0x1  }
0x289: {  	[tilespmem:v6+s24+$0x0] =	vst.idx.msk $0xffff, v3  }
0x28a: {  	[tilespmem:v6+s16+$0x0] =	vst.idx.msk $0xffff, v4  }
0x28b: {  	[tilespmem:v5+s22+$0x0] =	vst.idx.msk $0xffff, v6  }
0x28c: {  	[tilespmem:v7+s19+$0x0] =	vst.idx.add.s32.msk $0xffff, v1  }
.LBB2_57:
0x28d: {  	s12 =	simm.s32 $0x0  }
0x28e: {  	v3 =	vld [tilespmem:s12+$0x7000];
	_ =	sdelay $0x4  }
0x28f: {  	(xrf0) =	vadd.scan.msk.s32 $0xffff, v3;
	_ =	sdelay $0x5  }
0x290: {  	v4, _, _ =	vpop (xrf0)  }
0x291: {  	s3 =	simm.s32 $0xFFFFFFFF;
	(v2sf) =	vpush v4, $0xF  }
0x292: {  	v3 =	vsub.s32 s3, v3  }
0x293: {  	v3 =	vadd.s32 v4, v3  }
0x294: {  	s9 =	simm.s32 $0x10;
	s11 =	simm.s32 $0x80;
	[tilespmem:s12+$0x7000] =	vst v3  }
.LBB2_58:
0x295: {  	p1 =	sne.s32 s11, $0x3C0;
	v3 =	vld [tilespmem:s9+$0x7000];
	_ =	sdelay $0x4  }
0x296: {  	(xrf0) =	vadd.scan.msk.s32 $0xffff, v3;
	_ =	sdelay $0x5  }
.Ltmp40:
0x297: {  	v4, _, _ =	vpop (xrf0);
	s12 =	spop (v2sf);
	(pc) =	sbr.rel @p1 .LBB2_58-.Ltmp40, $4  }
0x298: {  	(v2sf) =	vpush v4, $0xF;
	s3 =	sadd.s32 s3, s12  }
0x299: {  	v3 =	vsub.s32 s3, v3  }
0x29a: {  	v3 =	vadd.s32 v4, v3  }
0x29b: {  	[tilespmem:s9+$0x7000] =	vst v3;
	s9 =	sshra.s32 s11, $0x2;
	s11 =	sadd.s32 $0x40, s11  }
0x29c: {  	_ =	sdelay $0x1  }
0x29d: {  	v3 =	vld [tilespmem:s9+$0x7000];
	_ =	sdelay $0x4  }
0x29e: {  	(xrf0) =	vadd.scan.msk.s32 $0xffff, v3;
	_ =	sdelay $0x3  }
0x29f: {  	s11 =	spop (v2sf)  }
0x2a0: {  	s3 =	sadd.s32 s3, s11  }
0x2a1: {  	v4, _, _ =	vpop (xrf0);
	v3 =	vsub.s32 s3, v3  }
0x2a2: {  	v3 =	vadd.s32 v4, v3  }
0x2a3: {  	[tilespmem:s9+$0x7000] =	vst v3  }
0x2a4: {  	(v2sf) =	vpush v4, $0xF;
	[tilespmem:$0x7100] =	vst v0  }
0x2a5: {  	[tilespmem:$0x7110] =	vst v0  }
0x2a6: {  	[tilespmem:$0x7120] =	vst v0  }
0x2a7: {  	[tilespmem:$0x7130] =	vst v0  }
0x2a8: {  	[tilespmem:$0x7140] =	vst v0  }
0x2a9: {  	[tilespmem:$0x7150] =	vst v0  }
0x2aa: {  	[tilespmem:$0x7160] =	vst v0  }
0x2ab: {  	[tilespmem:$0x7170] =	vst v0  }
0x2ac: {  	[tilespmem:$0x7180] =	vst v0  }
0x2ad: {  	[tilespmem:$0x7190] =	vst v0  }
0x2ae: {  	p1 =	sgt.s32 s10, $0x0;
	[tilespmem:$0x71A0] =	vst v0  }
.Ltmp41:
0x2af: {  	[tilespmem:$0x71B0] =	vst v0;
	(pc) =	sbr.rel @!p1 .LBB2_63-.Ltmp41, $4  }
0x2b0: {  	[tilespmem:$0x71C0] =	vst v0  }
0x2b1: {  	[tilespmem:$0x71D0] =	vst v0  }
0x2b2: {  	[tilespmem:$0x71E0] =	vst v0  }
0x2b3: {  	[tilespmem:$0x71F0] =	vst v0;
	s30 =	spop (v2sf)  }
0x2b4: {  	p2 =	seq.s32 s10, $0x1  }
.Ltmp42:
0x2b5: {  	s3 =	simm.s32 $0x2000;
	(pc) =	sbr.rel @p2 .LBB2_62-.Ltmp42, $3  }
0x2b6: {  	v3 =	vld [tilespmem:s3+$0x0];
	_ =	sdelay $0x1  }
0x2b7: {  	s9 =	simm.s32 $0x3000  }
0x2b8: {  	s11 =	sadd.s32 $0xFFFFFFFF, s10;
	v4 =	vld [tilespmem:s9+$0x0]  }
.LBB2_61:
0x2b9: {  	p2 =	seq.s32 s11, $0x1  }
0x2ba: {  	v5 =	vshrl.u32 v3, $0x10  }
0x2bb: {  	v5 =	vand.u32 $0xFF, v5  }
0x2bc: {  	(xrf1) =	vunique.msk.u32 $0xffff, v5;
	_ =	sdelay $0x8  }
0x2bd: {  	v6 =	vld.idx.msk [tilespmem:v5+s19+$0x0], $0xffff;
	_ =	sdelay $0x4  }
0x2be: {  	_, v7, _ =	vpop (xrf1)  }
0x2bf: {  	v6 =	vadd.s32 v6, v7;
	_ =	sdelay $0x2  }
0x2c0: {  	v7 =	vshrl.u32 v3, $0x18;
	_ =	sdelay $0x1  }
0x2c1: {  	[tilespmem:v6+s20+$0x0] =	vst.idx.msk $0xffff, v3  }
0x2c2: {  	[tilespmem:v6+s21+$0x0] =	vst.idx.msk $0xffff, v4  }
0x2c3: {  	[tilespmem:v5+s19+$0x0] =	vst.idx.msk $0xffff, v6  }
.Ltmp43:
0x2c4: {  	s3 =	sadd.s32 $0x10, s3;
	[tilespmem:v7+s22+$0x0] =	vst.idx.add.s32.msk $0xffff, v1;
	(pc) =	sbr.rel @!p2 .LBB2_61-.Ltmp43, $3  }
0x2c5: {  	s9 =	sadd.s32 $0x10, s9;
	v3 =	vld [tilespmem:s3+$0x0]  }
0x2c6: {  	v4 =	vld [tilespmem:s9+$0x0];
	_ =	sdelay $0x1  }
0x2c7: {  	s11 =	sadd.s32 $0xFFFFFFFF, s11  }
.LBB2_62:
0x2c8: {  	_ = 	snop  }
0x2c9: {  	v5 =	vshrl.u32 v3, $0x10  }
0x2ca: {  	v5 =	vand.u32 $0xFF, v5  }
0x2cb: {  	(xrf1) =	vunique.msk.u32 $0xffff, v5;
	_ =	sdelay $0x9  }
0x2cc: {  	v6 =	vld.idx.msk [tilespmem:v5+s19+$0x0], $0xffff;
	_ =	sdelay $0x3  }
0x2cd: {  	_, v7, _ =	vpop (xrf1)  }
0x2ce: {  	v6 =	vadd.s32 v6, v7;
	_ =	sdelay $0x2  }
0x2cf: {  	v63 =	vshrl.u32 v3, $0x18;
	_ =	sdelay $0x1  }
0x2d0: {  	[tilespmem:v6+s20+$0x0] =	vst.idx.msk $0xffff, v3  }
0x2d1: {  	[tilespmem:v6+s21+$0x0] =	vst.idx.msk $0xffff, v4  }
0x2d2: {  	[tilespmem:v5+s19+$0x0] =	vst.idx.msk $0xffff, v6  }
0x2d3: {  	[tilespmem:v63+s22+$0x0] =	vst.idx.add.s32.msk $0xffff, v1  }
.LBB2_63:
0x2d4: {  	s12 =	simm.s32 $0x0  }
0x2d5: {  	v3 =	vld [tilespmem:s12+$0x7100];
	_ =	sdelay $0x4  }
0x2d6: {  	(xrf0) =	vadd.scan.msk.s32 $0xffff, v3;
	_ =	sdelay $0x5  }
0x2d7: {  	v4, _, _ =	vpop (xrf0)  }
0x2d8: {  	s3 =	simm.s32 $0xFFFFFFFF;
	(v2sf) =	vpush v4, $0xF  }
0x2d9: {  	v3 =	vsub.s32 s3, v3  }
0x2da: {  	v3 =	vadd.s32 v4, v3  }
0x2db: {  	s9 =	simm.s32 $0x10;
	s11 =	simm.s32 $0x80;
	[tilespmem:s12+$0x7100] =	vst v3  }
.LBB2_64:
0x2dc: {  	p2 =	seq.s32 s11, $0x3C0;
	v3 =	vld [tilespmem:s9+$0x7100];
	_ =	sdelay $0x4  }
0x2dd: {  	(xrf0) =	vadd.scan.msk.s32 $0xffff, v3;
	_ =	sdelay $0x5  }
.Ltmp44:
0x2de: {  	v4, _, _ =	vpop (xrf0);
	s12 =	spop (v2sf);
	(pc) =	sbr.rel @!p2 .LBB2_64-.Ltmp44, $4  }
0x2df: {  	(v2sf) =	vpush v4, $0xF;
	s3 =	sadd.s32 s3, s12  }
0x2e0: {  	v3 =	vsub.s32 s3, v3  }
0x2e1: {  	v3 =	vadd.s32 v4, v3  }
0x2e2: {  	[tilespmem:s9+$0x7100] =	vst v3;
	s9 =	sshra.s32 s11, $0x2;
	s11 =	sadd.s32 $0x40, s11  }
0x2e3: {  	v3 =	vld [tilespmem:s9+$0x7100];
	_ =	sdelay $0x4  }
0x2e4: {  	(xrf0) =	vadd.scan.msk.s32 $0xffff, v3;
	_ =	sdelay $0x5  }
0x2e5: {  	v4, _, _ =	vpop (xrf0)  }
0x2e6: {  	(v2sf) =	vpush v4, $0xF;
	_ =	sdelay $0xa  }
.Ltmp45:
0x2e7: {  	s11 =	spop (v2sf);
	(pc) =	sbr.rel @!p1 .LBB2_72-.Ltmp45, $4  }
0x2e8: {  	s3 =	sadd.s32 s3, s11  }
0x2e9: {  	v3 =	vsub.s32 s3, v3  }
0x2ea: {  	v3 =	vadd.s32 v4, v3  }
0x2eb: {  	[tilespmem:s9+$0x7100] =	vst v3;
	s30 =	spop (v2sf)  }
0x2ec: {  	p2 =	sne.s32 s10, $0x1  }
.Ltmp46:
0x2ed: {  	_ = 	snop;
	(pc) =	sbr.rel @!p2 .LBB2_67-.Ltmp46, $3  }
0x2ee: {  	_ =	sdelay $0x1  }
0x2ef: {  	s3 =	simm.s32 $0x4000  }
0x2f0: {  	s9 =	simm.s32 $0x5000;
	p1 =	por $0x0, $0x0;
	v3 =	vld [tilespmem:s3+$0x0];
	s3 =	sadd.s32 $0xFFFFFFFF, s10  }
0x2f1: {  	_ =	sdelay $0x3  }
0x2f2: {  	v3 =	vshrl.u32 v3, $0x18  }
0x2f3: {  	(xrf1) =	vunique.msk.u32 $0xffff, v3;
	_ =	sdelay $0x9  }
0x2f4: {  	v4 =	vld.idx.msk [tilespmem:v3+s22+$0x0], $0xffff;
	_ =	sdelay $0x3  }
0x2f5: {  	_, v5, _ =	vpop (xrf1)  }
0x2f6: {  	v4 =	vadd.s32 v4, v5;
	v5 =	vld [tilespmem:s9+$0x0];
	_ =	sdelay $0x2  }
0x2f7: {  	p2 =	sne.s32 s3, $0x1  }
.Ltmp47:
0x2f8: {  	_ = 	snop;
	(pc) =	sbr.rel @!p2 .LBB2_69-.Ltmp47, $4  }
0x2f9: {  	[tilespmem:v4+s16+$0x0] =	vst.idx.msk $0xffff, v5  }
0x2fa: {  	s11 =	simm.s32 $0x4010;
	[tilespmem:v3+s22+$0x0] =	vst.idx.msk $0xffff, v4  }
0x2fb: {  	v3 =	vld [tilespmem:s11+$0x0]  }
0x2fc: {  	s12 =	sadd.s32 $0xFFFFFFFF, s3;
	p1 =	por $0x1, $0x1;
	s3 =	simm.s32 $0x5000  }
.LBB2_70:
0x2fd: {  	p2 =	sne.s32 s12, $0x1;
	_ =	sdelay $0x2  }
0x2fe: {  	v3 =	vshrl.u32 v3, $0x18  }
0x2ff: {  	(xrf1) =	vunique.msk.u32 $0xffff, v3;
	_ =	sdelay $0x8  }
0x300: {  	v4 =	vld.idx.msk [tilespmem:v3+s22+$0x0], $0xffff;
	_ =	sdelay $0x4  }
0x301: {  	s3 =	sadd.s32 $0x10, s3;
	_, v5, _ =	vpop (xrf1)  }
0x302: {  	v4 =	vadd.s32 v4, v5;
	v5 =	vld [tilespmem:s3+$0x0];
	_ =	sdelay $0x3  }
.Ltmp48:
0x303: {  	(pc) =	sbr.rel @p2 .LBB2_70-.Ltmp48, $4  }
0x304: {  	[tilespmem:v4+s16+$0x0] =	vst.idx.msk $0xffff, v5  }
0x305: {  	s11 =	sadd.s32 $0x10, s11;
	[tilespmem:v3+s22+$0x0] =	vst.idx.msk $0xffff, v4  }
0x306: {  	v3 =	vld [tilespmem:s11+$0x0]  }
0x307: {  	s12 =	sadd.s32 $0xFFFFFFFF, s12  }
.LBB2_71:
0x308: {  	_ =	sdelay $0x2  }
0x309: {  	v3 =	vshrl.u32 v3, $0x18  }
0x30a: {  	(xrf1) =	vunique.msk.u32 $0xffff, v3;
	_ =	sdelay $0x9  }
0x30b: {  	v4 =	vld.idx.msk [tilespmem:v3+s22+$0x0], $0xffff;
	_ =	sdelay $0x2  }
0x30c: {  	s3 =	sadd.s32 @p1 $0x10, s3  }
0x30d: {  	s9 =	smov.u32 @p1 s3;
	_, v5, _ =	vpop (xrf1)  }
0x30e: {  	v63 =	vld [tilespmem:s9+$0x0];
	v4 =	vadd.s32 v4, v5  }
0x30f: {  	p1 =	sgt.u32 s10, $0x7F  }
.Ltmp49:
0x310: {  	_ = 	snop;
	(pc) =	sbr.rel @p1 .LBB2_74-.Ltmp49, $3  }
0x311: {  	_ =	sdelay $0x1  }
0x312: {  	[tilespmem:v4+s16+$0x0] =	vst.idx.msk $0xffff, v63  }
0x313: {  	[tilespmem:v3+s22+$0x0] =	vst.idx.msk $0xffff, v4  }
.LBB2_72:
0x314: {  	s9 =	ssub.s32 $0x80, s10  }
0x315: {  	p1 =	sne.s32 s9, $0x1  }
.Ltmp50:
0x316: {  	_ = 	snop;
	(pc) =	sbr.rel @!p1 .LBB2_74-.Ltmp50, $4  }
0x317: {  	s3 =	sshll.u32 s10, $0x6  }
0x318: {  	s11 =	sshll.u32 s10, $0x4;
	s3 =	sshra.s32 s3, $0x2  }
0x319: {  	v3 =	vor.u32 s11, v2;
	s3 =	sadd.s32 $0x3000, s3  }
0x31a: {  	s9 =	sadd.s32 $0xFFFFFFFF, s9;
	s11 =	sadd.s32 $0x10, s11;
	[tilespmem:s3+$0x0] =	vst v3  }
.LBB2_73:
0x31b: {  	v3 =	vor.u32 s11, v2;
	p1 =	sne.s32 s9, $0x1;
	s9 =	sadd.s32 $0xFFFFFFFF, s9;
	s3 =	sadd.s32 $0x10, s3  }
.Ltmp51:
0x31c: {  	[tilespmem:s3+$0x0] =	vst v3;
	(pc) =	sbr.rel @p1 .LBB2_73-.Ltmp51, $2  }
0x31d: {  	_ =	sdelay $0x2  }
0x31e: {  	s11 =	sadd.s32 $0x10, s11  }
.Ltmp52:
0x31f: {  	_ = 	snop;
	(pc) =	sbr.rel .LBB2_74-.Ltmp52, $1  }
0x320: {  	_ =	sdelay $0x3  }
.LBB2_31:
.Ltmp53:
0x321: {  	(pc) =	sbr.rel .LBB2_35-.Ltmp53, $2  }
0x322: {  	_ =	sdelay $0x2  }
0x323: {  	s3 =	simm.s32 $0x5000  }
.LBB2_67:
.Ltmp54:
0x324: {  	(pc) =	sbr.rel .LBB2_71-.Ltmp54, $2  }
0x325: {  	_ =	sdelay $0x2  }
0x326: {  	s3 =	simm.s32 $0x5000  }
.LBB2_33:
.Ltmp55:
0x327: {  	(pc) =	sbr.rel .LBB2_35-.Ltmp55, $2  }
0x328: {  	_ =	sdelay $0x2  }
0x329: {  	s3 =	simm.s32 $0x5000  }
.LBB2_69:
.Ltmp56:
0x32a: {  	(pc) =	sbr.rel .LBB2_71-.Ltmp56, $2  }
0x32b: {  	_ =	sdelay $0x2  }
0x32c: {  	s3 =	simm.s32 $0x5000  }
.LBB2_4:
.Ltmp57:
0x32d: {  	(pc) =	sbr.rel .LBB2_8-.Ltmp57, $2  }
0x32e: {  	_ =	sdelay $0x2  }
0x32f: {  	s3 =	simm.s32 $0x6000  }
.LBB2_40:
.Ltmp58:
0x330: {  	(pc) =	sbr.rel .LBB2_44-.Ltmp58, $2  }
0x331: {  	_ =	sdelay $0x2  }
0x332: {  	s3 =	simm.s32 $0x6000  }
.LBB2_6:
.Ltmp59:
0x333: {  	(pc) =	sbr.rel .LBB2_8-.Ltmp59, $2  }
0x334: {  	_ =	sdelay $0x2  }
0x335: {  	s3 =	simm.s32 $0x6000  }
.LBB2_42:
.Ltmp60:
0x336: {  	(pc) =	sbr.rel .LBB2_44-.Ltmp60, $2  }
0x337: {  	_ =	sdelay $0x2  }
0x338: {  	s3 =	simm.s32 $0x6000  }
.LBB2_76:
0x339: {  	_ =	sfence.sel $0x180000  }
0x33a: {  	[bflag:$0x0] =	sbarrier.arrive $0xFFFF  }
0x33b: {  	_ =	strace $0x90000047  }
0x33c: {  	s0 =	stileid.u32;
	[bflag:$0x2] =	sbarrier.arrive $0xFFFF  }
0x33d: {  	p0 =	sne.s32 s0, $0x0;
	s0 =	rddreg [dreg:$0x4]  }
0x33e: {  	s0 =	sadd.s32 @!p0 $0x100000, s0  }
0x33f: {  	[sflag:s0] =	ssyncadd.tile.s32 @!p0 $0x1;
	_ =	shalt  }
.Lfunc_end2:
_tile_overlayer_lowered:
.L_overlay_start_2:
0x340: {  	(tag) =	ssettag $0x2  }
0x341: {  	s0 =	rddreg [dreg:$0x0];
	s2 =	stileid.u32  }
0x342: {  	s1 =	rddreg [dreg:$0x1];
	p0 =	sne.s32 s2, $0x0  }
0x343: {  	s3 =	rddreg [dreg:$0x2];
	[bflag:$0x3] =	sbarrier.arrive $0xFFFF;
	s2 =	simm.s32 @!p0 $0x1C04  }
0x344: {  	[timem:s3], [sflag:s2] =	dma.local @!p0 [hbm:s0], s1  }
0x345: {  	s0 =	simm.s32 @!p0 $0x4  }
0x346: {  	_ =	swait.ge @!p0 [sflag:s0], s1  }
0x347: {  	s1 =	ssub.s32 @!p0 $0x0, s1;
	[sflag:s0] =	ssyncset.done @!p0 $0x0  }
0x348: {  	[sflag:s0] =	ssyncadd.s32 @!p0 s1  }
0x349: {  	[bflag:$0x3] =	sbarrier.arrive $0xFFFF  }
0x34a: {  	_ =	shalt  }

</sc_bundles>
